<compile_context>
chip_gen: v7x
topology: tpu7x:2x2x1
jax: 0.10.2.dev20260603
libtpu: 0.0.44.dev20260713+nightly
codegen_flags: <defaults>
</compile_context>

<pallas_src>
import functools

import jax
import jax.numpy as jnp
from jax import lax
from jax.experimental import pallas as pl
from jax.experimental.pallas import tpu as pltpu
from jax.experimental.pallas import tpu_sc as plsc

_N = 65536
_K = 8192
_D = 64

_BN = 512
_BH = 256
_NCH = 4
_KC = _K // _NCH


def _half_dists(zb, a2, b2_ref, cb2_ref):
    dists = []
    mins = []
    for c in range(_NCH):
        cbc = cb2_ref[c * _KC:(c + 1) * _KC, :]
        t2 = lax.dot_general(zb, cbc, (((1,), (1,)), ((), ())),
                             preferred_element_type=jnp.float32)
        d2 = (a2 + b2_ref[:, c * _KC:(c + 1) * _KC]) - t2
        d2g = jnp.maximum(d2, 1.1754944e-38)
        dist = d2g * lax.rsqrt(d2g)
        dists.append(dist)
        mins.append(jnp.min(dist, axis=1, keepdims=True))
    while len(mins) > 1:
        mins = [jnp.minimum(a, b) for a, b in zip(mins[::2], mins[1::2])] + (
            [mins[-1]] if len(mins) % 2 else [])
    return dists, mins[0]


def _half_select(dists, rmin):
    fi = jnp.full((_BH, 1), float(_K), jnp.float32)
    for c in range(_NCH):
        ii = lax.broadcasted_iota(jnp.int32, (1, _KC), 1).astype(jnp.float32)
        fc = jnp.min(jnp.where(dists[c] == rmin, ii, float(_K)),
                     axis=1, keepdims=True)
        fi = jnp.minimum(fi, fc + float(c * _KC))
    return fi, jnp.sum(rmin * rmin)


def _dist_body(a2_ref, b2_ref, z_ref, cb2_ref, idx_ref, loss_ref):
    n = pl.program_id(0)

    @pl.when(n == 0)
    def _init():
        loss_ref[...] = jnp.zeros((1, 1), jnp.float32)

    zb = z_ref[...]
    a2 = a2_ref[...]
    ds_a, rm_a = _half_dists(zb[:_BH], a2[:_BH], b2_ref, cb2_ref)
    ds_b, rm_b = _half_dists(zb[_BH:], a2[_BH:], b2_ref, cb2_ref)
    idx_a, ls_a = _half_select(ds_a, rm_a)
    idx_b, ls_b = _half_select(ds_b, rm_b)
    fi2 = jnp.transpose(jnp.concatenate([idx_a, idx_b], axis=0))
    idx_ref[...] = fi2.astype(jnp.int32)
    loss_ref[...] = loss_ref[...] + (ls_a + ls_b)

    @pl.when(n == pl.num_programs(0) - 1)
    def _finish():
        loss_ref[...] = loss_ref[...] * (1.0 / (_N * _D))


def _distance_argmin(z_feats, cb2, a2, b2):
    grid = (_N // _BN,)
    return pl.pallas_call(
        _dist_body,
        grid=grid,
        in_specs=[
            pl.BlockSpec((_BN, 1), lambda n: (n, 0)),
            pl.BlockSpec((1, _K), lambda n: (0, 0)),
            pl.BlockSpec((_BN, _D), lambda n: (n, 0)),
            pl.BlockSpec((_K, _D), lambda n: (0, 0)),
        ],
        out_specs=[
            pl.BlockSpec((1, _BN), lambda n: (0, n)),
            pl.BlockSpec((1, 1), lambda n: (0, 0)),
        ],
        out_shape=[
            jax.ShapeDtypeStruct((1, _N), jnp.int32),
            jax.ShapeDtypeStruct((1, 1), jnp.float32),
        ],
    )(a2, b2, z_feats, cb2)


_NW = 32
_CHUNK = 128
_B_PER_W = _N // _NW
_NCHUNK = _B_PER_W // _CHUNK
_DP = 128
_NBUF = 4


def _gather_body(cb_hbm, idx_hbm, out_hbm, idx_v,
                 r0, r1, r2, r3, g0, g1, g2, g3, s0, s1, s2, s3):
    wid = lax.axis_index("s") * 2 + lax.axis_index("c")
    base = wid * _B_PER_W
    pltpu.sync_copy(idx_hbm.at[pl.ds(base, _B_PER_W)], idx_v)
    rows = (r0, r1, r2, r3)
    gsem = (g0, g1, g2, g3)
    ssem = (s0, s1, s2, s3)
    g = [None] * _NBUF
    s = [None] * _NBUF
    g[0] = pltpu.async_copy(cb_hbm.at[idx_v.at[pl.ds(0, _CHUNK)]],
                            rows[0], gsem[0])
    for c in range(_NCHUNK):
        b = c % _NBUF
        nx = c + 1
        if nx < _NCHUNK:
            bn = nx % _NBUF
            if s[bn] is not None:
                s[bn].wait()
            g[bn] = pltpu.async_copy(
                cb_hbm.at[idx_v.at[pl.ds(nx * _CHUNK, _CHUNK)]],
                rows[bn], gsem[bn])
        g[b].wait()
        s[b] = pltpu.async_copy(
            rows[b], out_hbm.at[pl.ds(base + c * _CHUNK, _CHUNK)], ssem[b])
    for b in range(_NBUF):
        if s[b] is not None:
            s[b].wait()


def _sc_gather(codebook, idx):
    mesh = plsc.VectorSubcoreMesh(core_axis_name="c", subcore_axis_name="s")
    k = functools.partial(
        pl.kernel,
        mesh=mesh,
        out_type=jax.ShapeDtypeStruct((_N, _DP), jnp.float32),
        scratch_types=[
            pltpu.VMEM((_B_PER_W,), jnp.int32),
        ] + [pltpu.VMEM((_CHUNK, _DP), jnp.float32)] * _NBUF
          + [pltpu.SemaphoreType.DMA] * (2 * _NBUF),
    )(_gather_body)
    return k(codebook, idx)


def kernel(z_feats, codebook):
    a2 = jnp.sum(z_feats * z_feats, axis=1, keepdims=True)
    b2 = jnp.sum(codebook * codebook, axis=1)[None, :]
    idx2, loss2 = _distance_argmin(z_feats, codebook + codebook, a2, b2)
    cb_pad = jnp.pad(codebook, ((0, 0), (0, _DP - _D)))
    idx = idx2.reshape(_N)
    quantized = _sc_gather(cb_pad, idx)[:, :_D]
    quantized_st = z_feats + (quantized - z_feats)
    loss = loss2[0, 0]
    return (quantized_st, loss, loss, idx)

# --- scband reference (transcript-rebuilt; emitter-appended) ---
"""Pipeline reference for scband-sparse-vector-quantizer-58987080843751 (READ-ONLY COPY).

The authoritative reference and input builder live on the scoring server;
editing this copy changes nothing except your own understanding.
"""

import jax, jax.numpy as jnp
import numpy as np

N = 65536
K = 8192
D = 64

def setup_inputs(seed: int = 0) -> dict:
    key = jax.random.key(seed)
    k1, k2 = jax.random.split(key)
    z_feats = jax.random.normal(k1, (N, D), dtype=jnp.float32)
    # torch init: uniform(-1/num_embeddings, 1/num_embeddings)
    codebook = jax.random.uniform(k2, (K, D), dtype=jnp.float32, minval=-1.0 / K, maxval=1.0 / K)
    return {"z_feats": z_feats, "codebook": codebook}

def _cdist(a, b):
    # euclidean distance matrix, matches torch.cdist(p=2)
    a2 = jnp.sum(a * a, axis=1, keepdims=True)
    b2 = jnp.sum(b * b, axis=1)[None, :]
    d2 = a2 + b2 - 2.0 * (a @ b.T)
    return jnp.sqrt(jnp.maximum(d2, 0.0))

def reference(z_feats, codebook):
    # z is a SparseTensor in the original; its feats [N, D] is all that is computed on.
    distances = _cdist(z_feats, codebook)                      # [N, K]
    encoding_indices = jnp.argmin(distances, axis=1)           # [N]
    quantized_feats = jnp.take(codebook, encoding_indices, axis=0)  # embedding lookup
    commitment_loss = jnp.mean((z_feats - jax.lax.stop_gradient(quantized_feats)) ** 2)
    vq_loss = jnp.mean((quantized_feats - jax.lax.stop_gradient(z_feats)) ** 2)
    # straight-through estimator
    quantized_st = z_feats + jax.lax.stop_gradient(quantized_feats - z_feats)
    return (quantized_st, vq_loss, commitment_loss, encoding_indices)

if __name__ == "__main__":
    import jax
    _d = setup_inputs()
    print(jax.jit(kernel)(*tuple(_d.values())))

</pallas_src>

<mosaic_0001>
#map = affine_map<(d0, d1) -> (0, 0)>
#map1 = affine_map<(d0, d1) -> (0)>
module attributes {stable_mosaic.version = 14 : i64} {
  func.func @_gather_body(%arg0: i32, %arg1: i32, %arg2: memref<8192x128xf32, #tpu.memory_space<hbm>>, %arg3: memref<65536xi32, #tpu.memory_space<hbm>>, %arg4: memref<65536x128xf32, #tpu.memory_space<hbm>>, %arg5: memref<2048xi32, #tpu.memory_space<vmem>>, %arg6: memref<128x128xf32, #tpu.memory_space<vmem>>, %arg7: memref<128x128xf32, #tpu.memory_space<vmem>>, %arg8: memref<128x128xf32, #tpu.memory_space<vmem>>, %arg9: memref<128x128xf32, #tpu.memory_space<vmem>>, %arg10: memref<!tpu.dma_semaphore, #tpu.memory_space<semaphore_mem>>, %arg11: memref<!tpu.dma_semaphore, #tpu.memory_space<semaphore_mem>>, %arg12: memref<!tpu.dma_semaphore, #tpu.memory_space<semaphore_mem>>, %arg13: memref<!tpu.dma_semaphore, #tpu.memory_space<semaphore_mem>>, %arg14: memref<!tpu.dma_semaphore, #tpu.memory_space<semaphore_mem>>, %arg15: memref<!tpu.dma_semaphore, #tpu.memory_space<semaphore_mem>>, %arg16: memref<!tpu.dma_semaphore, #tpu.memory_space<semaphore_mem>>, %arg17: memref<!tpu.dma_semaphore, #tpu.memory_space<semaphore_mem>>) attributes {dimension_semantics = [#tpu.dimension_semantics<core_parallel>, #tpu.dimension_semantics<subcore_parallel>], iteration_bounds = array<i64: 2, 16>, scalar_prefetch = 0 : i64, scratch_operands = 13 : i64, tpu.core_type = #tpu.core_type<sc_vector_subcore>, window_params = [{transform_indices = #map}, {transform_indices = #map1}, {transform_indices = #map}]} {
    %mul3A = arith.constant 2 : i32
    %mul3A_0 = arith.muli %arg1, %mul3A : i32
    %add3A = arith.addi %mul3A_0, %arg0 : i32
    %mul3A_1 = arith.constant 2048 : i32
    %mul3A_2 = arith.muli %add3A, %mul3A_1 : i32
    "tpu.region"() ({
      %run_scoped3A = tpu.sem_alloc : memref<!tpu.dma_semaphore, #tpu.memory_space<semaphore_mem>>
      %dma_start3A_321 = tpu.memref_slice %arg3[%mul3A_2] : memref<65536xi32, #tpu.memory_space<hbm>> -> memref<2048xi32, #tpu.memory_space<hbm>>
      %dma_start3A_322 = tpu.memref_slice %arg3[%mul3A_2] : memref<65536xi32, #tpu.memory_space<hbm>> -> memref<2048xi32, #tpu.memory_space<hbm>>
      tpu.enqueue_dma source(%dma_start3A_322 : memref<2048xi32, #tpu.memory_space<hbm>>) target(%arg5 : memref<2048xi32, #tpu.memory_space<vmem>>) target_semaphore(%run_scoped3A : memref<!tpu.dma_semaphore, #tpu.memory_space<semaphore_mem>>)
      %dma_wait3A_323 = tpu.memref_slice %arg3[%mul3A_2] : memref<65536xi32, #tpu.memory_space<hbm>> -> memref<2048xi32, #tpu.memory_space<hbm>>
      %dma_wait3A_324 = tpu.memref_slice %arg3[%mul3A_2] : memref<65536xi32, #tpu.memory_space<hbm>> -> memref<2048xi32, #tpu.memory_space<hbm>>
      tpu.wait_dma2 semaphore(%run_scoped3A : memref<!tpu.dma_semaphore, #tpu.memory_space<semaphore_mem>>) src(%dma_wait3A_324 : memref<2048xi32, #tpu.memory_space<hbm>>) dst(%arg5 : memref<2048xi32, #tpu.memory_space<vmem>>)
      tpu.yield
    }) : () -> ()
    %dma_start3A = arith.constant 0 : i32
    %dma_start3A_3 = tpu.memref_slice %arg5[%dma_start3A] : memref<2048xi32, #tpu.memory_space<vmem>> -> memref<128xi32, #tpu.memory_space<vmem>>
    %dma_start3A_4 = arith.constant 0 : i32
    %dma_start3A_5 = arith.constant 0 : i32
    %dma_start3A_6 = tpu.memref_slice %arg2[%dma_start3A_4, %dma_start3A_5] : memref<8192x128xf32, #tpu.memory_space<hbm>> -> memref<8192x128xf32, #tpu.memory_space<hbm>>
    tpu.enqueue_indirect_dma source(%dma_start3A_6 : memref<8192x128xf32, #tpu.memory_space<hbm>>) target(%arg6 : memref<128x128xf32, #tpu.memory_space<vmem>>) offsets(%dma_start3A_3 : memref<128xi32, #tpu.memory_space<vmem>>) semaphore(%arg10 : memref<!tpu.dma_semaphore, #tpu.memory_space<semaphore_mem>>)
    %dma_start3A_7 = arith.constant 128 : i32
    %dma_start3A_8 = tpu.memref_slice %arg5[%dma_start3A_7] : memref<2048xi32, #tpu.memory_space<vmem>> -> memref<128xi32, #tpu.memory_space<vmem>>
    %dma_start3A_9 = arith.constant 0 : i32
    %dma_start3A_10 = arith.constant 0 : i32
    %dma_start3A_11 = tpu.memref_slice %arg2[%dma_start3A_9, %dma_start3A_10] : memref<8192x128xf32, #tpu.memory_space<hbm>> -> memref<8192x128xf32, #tpu.memory_space<hbm>>
    tpu.enqueue_indirect_dma source(%dma_start3A_11 : memref<8192x128xf32, #tpu.memory_space<hbm>>) target(%arg7 : memref<128x128xf32, #tpu.memory_space<vmem>>) offsets(%dma_start3A_8 : memref<128xi32, #tpu.memory_space<vmem>>) semaphore(%arg11 : memref<!tpu.dma_semaphore, #tpu.memory_space<semaphore_mem>>)
    %dma_wait3A = arith.constant 0 : i32
    %dma_wait3A_12 = tpu.memref_slice %arg5[%dma_wait3A] : memref<2048xi32, #tpu.memory_space<vmem>> -> memref<128xi32, #tpu.memory_space<vmem>>
    %dma_wait3A_13 = arith.constant 0 : i32
    %dma_wait3A_14 = arith.constant 0 : i32
    %dma_wait3A_15 = tpu.memref_slice %arg2[%dma_wait3A_13, %dma_wait3A_14] : memref<8192x128xf32, #tpu.memory_space<hbm>> -> memref<8192x128xf32, #tpu.memory_space<hbm>>
    tpu.wait_indirect_dma semaphore(%arg10 : memref<!tpu.dma_semaphore, #tpu.memory_space<semaphore_mem>>) src(%dma_wait3A_15 : memref<8192x128xf32, #tpu.memory_space<hbm>>) dst(%arg6 : memref<128x128xf32, #tpu.memory_space<vmem>>)
    %add3A_16 = arith.constant 0 : i32
    %add3A_17 = arith.addi %mul3A_2, %add3A_16 : i32
    %dma_start3A_18 = arith.constant 0 : i32
    %dma_start3A_19 = tpu.memref_slice %arg4[%add3A_17, %dma_start3A_18] : memref<65536x128xf32, #tpu.memory_space<hbm>> -> memref<128x128xf32, #tpu.memory_space<hbm>>
    %dma_start3A_20 = arith.constant 0 : i32
    %dma_start3A_21 = tpu.memref_slice %arg4[%add3A_17, %dma_start3A_20] : memref<65536x128xf32, #tpu.memory_space<hbm>> -> memref<128x128xf32, #tpu.memory_space<hbm>>
    tpu.enqueue_dma source(%arg6 : memref<128x128xf32, #tpu.memory_space<vmem>>) target(%dma_start3A_21 : memref<128x128xf32, #tpu.memory_space<hbm>>) target_semaphore(%arg14 : memref<!tpu.dma_semaphore, #tpu.memory_space<semaphore_mem>>)
    %dma_start3A_22 = arith.constant 256 : i32
    %dma_start3A_23 = tpu.memref_slice %arg5[%dma_start3A_22] : memref<2048xi32, #tpu.memory_space<vmem>> -> memref<128xi32, #tpu.memory_space<vmem>>
    %dma_start3A_24 = arith.constant 0 : i32
    %dma_start3A_25 = arith.constant 0 : i32
    %dma_start3A_26 = tpu.memref_slice %arg2[%dma_start3A_24, %dma_start3A_25] : memref<8192x128xf32, #tpu.memory_space<hbm>> -> memref<8192x128xf32, #tpu.memory_space<hbm>>
    tpu.enqueue_indirect_dma source(%dma_start3A_26 : memref<8192x128xf32, #tpu.memory_space<hbm>>) target(%arg8 : memref<128x128xf32, #tpu.memory_space<vmem>>) offsets(%dma_start3A_23 : memref<128xi32, #tpu.memory_space<vmem>>) semaphore(%arg12 : memref<!tpu.dma_semaphore, #tpu.memory_space<semaphore_mem>>)
    %dma_wait3A_27 = arith.constant 128 : i32
    %dma_wait3A_28 = tpu.memref_slice %arg5[%dma_wait3A_27] : memref<2048xi32, #tpu.memory_space<vmem>> -> memref<128xi32, #tpu.memory_space<vmem>>
    %dma_wait3A_29 = arith.constant 0 : i32
    %dma_wait3A_30 = arith.constant 0 : i32
    %dma_wait3A_31 = tpu.memref_slice %arg2[%dma_wait3A_29, %dma_wait3A_30] : memref<8192x128xf32, #tpu.memory_space<hbm>> -> memref<8192x128xf32, #tpu.memory_space<hbm>>
    tpu.wait_indirect_dma semaphore(%arg11 : memref<!tpu.dma_semaphore, #tpu.memory_space<semaphore_mem>>) src(%dma_wait3A_31 : memref<8192x128xf32, #tpu.memory_space<hbm>>) dst(%arg7 : memref<128x128xf32, #tpu.memory_space<vmem>>)
    %add3A_32 = arith.constant 128 : i32
    %add3A_33 = arith.addi %mul3A_2, %add3A_32 : i32
    %dma_start3A_34 = arith.constant 0 : i32
    %dma_start3A_35 = tpu.memref_slice %arg4[%add3A_33, %dma_start3A_34] : memref<65536x128xf32, #tpu.memory_space<hbm>> -> memref<128x128xf32, #tpu.memory_space<hbm>>
    %dma_start3A_36 = arith.constant 0 : i32
    %dma_start3A_37 = tpu.memref_slice %arg4[%add3A_33, %dma_start3A_36] : memref<65536x128xf32, #tpu.memory_space<hbm>> -> memref<128x128xf32, #tpu.memory_space<hbm>>
    tpu.enqueue_dma source(%arg7 : memref<128x128xf32, #tpu.memory_space<vmem>>) target(%dma_start3A_37 : memref<128x128xf32, #tpu.memory_space<hbm>>) target_semaphore(%arg15 : memref<!tpu.dma_semaphore, #tpu.memory_space<semaphore_mem>>)
    %dma_start3A_38 = arith.constant 384 : i32
    %dma_start3A_39 = tpu.memref_slice %arg5[%dma_start3A_38] : memref<2048xi32, #tpu.memory_space<vmem>> -> memref<128xi32, #tpu.memory_space<vmem>>
    %dma_start3A_40 = arith.constant 0 : i32
    %dma_start3A_41 = arith.constant 0 : i32
    %dma_start3A_42 = tpu.memref_slice %arg2[%dma_start3A_40, %dma_start3A_41] : memref<8192x128xf32, #tpu.memory_space<hbm>> -> memref<8192x128xf32, #tpu.memory_space<hbm>>
    tpu.enqueue_indirect_dma source(%dma_start3A_42 : memref<8192x128xf32, #tpu.memory_space<hbm>>) target(%arg9 : memref<128x128xf32, #tpu.memory_space<vmem>>) offsets(%dma_start3A_39 : memref<128xi32, #tpu.memory_space<vmem>>) semaphore(%arg13 : memref<!tpu.dma_semaphore, #tpu.memory_space<semaphore_mem>>)
    %dma_wait3A_43 = arith.constant 256 : i32
    %dma_wait3A_44 = tpu.memref_slice %arg5[%dma_wait3A_43] : memref<2048xi32, #tpu.memory_space<vmem>> -> memref<128xi32, #tpu.memory_space<vmem>>
    %dma_wait3A_45 = arith.constant 0 : i32
    %dma_wait3A_46 = arith.constant 0 : i32
    %dma_wait3A_47 = tpu.memref_slice %arg2[%dma_wait3A_45, %dma_wait3A_46] : memref<8192x128xf32, #tpu.memory_space<hbm>> -> memref<8192x128xf32, #tpu.memory_space<hbm>>
    tpu.wait_indirect_dma semaphore(%arg12 : memref<!tpu.dma_semaphore, #tpu.memory_space<semaphore_mem>>) src(%dma_wait3A_47 : memref<8192x128xf32, #tpu.memory_space<hbm>>) dst(%arg8 : memref<128x128xf32, #tpu.memory_space<vmem>>)
    %add3A_48 = arith.constant 256 : i32
    %add3A_49 = arith.addi %mul3A_2, %add3A_48 : i32
    %dma_start3A_50 = arith.constant 0 : i32
    %dma_start3A_51 = tpu.memref_slice %arg4[%add3A_49, %dma_start3A_50] : memref<65536x128xf32, #tpu.memory_space<hbm>> -> memref<128x128xf32, #tpu.memory_space<hbm>>
    %dma_start3A_52 = arith.constant 0 : i32
    %dma_start3A_53 = tpu.memref_slice %arg4[%add3A_49, %dma_start3A_52] : memref<65536x128xf32, #tpu.memory_space<hbm>> -> memref<128x128xf32, #tpu.memory_space<hbm>>
    tpu.enqueue_dma source(%arg8 : memref<128x128xf32, #tpu.memory_space<vmem>>) target(%dma_start3A_53 : memref<128x128xf32, #tpu.memory_space<hbm>>) target_semaphore(%arg16 : memref<!tpu.dma_semaphore, #tpu.memory_space<semaphore_mem>>)
    %dma_wait3A_54 = arith.constant 0 : i32
    %dma_wait3A_55 = tpu.memref_slice %arg4[%add3A_17, %dma_wait3A_54] : memref<65536x128xf32, #tpu.memory_space<hbm>> -> memref<128x128xf32, #tpu.memory_space<hbm>>
    %dma_wait3A_56 = arith.constant 0 : i32
    %dma_wait3A_57 = tpu.memref_slice %arg4[%add3A_17, %dma_wait3A_56] : memref<65536x128xf32, #tpu.memory_space<hbm>> -> memref<128x128xf32, #tpu.memory_space<hbm>>
    tpu.wait_dma2 semaphore(%arg14 : memref<!tpu.dma_semaphore, #tpu.memory_space<semaphore_mem>>) src(%arg6 : memref<128x128xf32, #tpu.memory_space<vmem>>) dst(%dma_wait3A_57 : memref<128x128xf32, #tpu.memory_space<hbm>>)
    %dma_start3A_58 = arith.constant 512 : i32
    %dma_start3A_59 = tpu.memref_slice %arg5[%dma_start3A_58] : memref<2048xi32, #tpu.memory_space<vmem>> -> memref<128xi32, #tpu.memory_space<vmem>>
    %dma_start3A_60 = arith.constant 0 : i32
    %dma_start3A_61 = arith.constant 0 : i32
    %dma_start3A_62 = tpu.memref_slice %arg2[%dma_start3A_60, %dma_start3A_61] : memref<8192x128xf32, #tpu.memory_space<hbm>> -> memref<8192x128xf32, #tpu.memory_space<hbm>>
    tpu.enqueue_indirect_dma source(%dma_start3A_62 : memref<8192x128xf32, #tpu.memory_space<hbm>>) target(%arg6 : memref<128x128xf32, #tpu.memory_space<vmem>>) offsets(%dma_start3A_59 : memref<128xi32, #tpu.memory_space<vmem>>) semaphore(%arg10 : memref<!tpu.dma_semaphore, #tpu.memory_space<semaphore_mem>>)
    %dma_wait3A_63 = arith.constant 384 : i32
    %dma_wait3A_64 = tpu.memref_slice %arg5[%dma_wait3A_63] : memref<2048xi32, #tpu.memory_space<vmem>> -> memref<128xi32, #tpu.memory_space<vmem>>
    %dma_wait3A_65 = arith.constant 0 : i32
    %dma_wait3A_66 = arith.constant 0 : i32
    %dma_wait3A_67 = tpu.memref_slice %arg2[%dma_wait3A_65, %dma_wait3A_66] : memref<8192x128xf32, #tpu.memory_space<hbm>> -> memref<8192x128xf32, #tpu.memory_space<hbm>>
    tpu.wait_indirect_dma semaphore(%arg13 : memref<!tpu.dma_semaphore, #tpu.memory_space<semaphore_mem>>) src(%dma_wait3A_67 : memref<8192x128xf32, #tpu.memory_space<hbm>>) dst(%arg9 : memref<128x128xf32, #tpu.memory_space<vmem>>)
    %add3A_68 = arith.constant 384 : i32
    %add3A_69 = arith.addi %mul3A_2, %add3A_68 : i32
    %dma_start3A_70 = arith.constant 0 : i32
    %dma_start3A_71 = tpu.memref_slice %arg4[%add3A_69, %dma_start3A_70] : memref<65536x128xf32, #tpu.memory_space<hbm>> -> memref<128x128xf32, #tpu.memory_space<hbm>>
    %dma_start3A_72 = arith.constant 0 : i32
    %dma_start3A_73 = tpu.memref_slice %arg4[%add3A_69, %dma_start3A_72] : memref<65536x128xf32, #tpu.memory_space<hbm>> -> memref<128x128xf32, #tpu.memory_space<hbm>>
    tpu.enqueue_dma source(%arg9 : memref<128x128xf32, #tpu.memory_space<vmem>>) target(%dma_start3A_73 : memref<128x128xf32, #tpu.memory_space<hbm>>) target_semaphore(%arg17 : memref<!tpu.dma_semaphore, #tpu.memory_space<semaphore_mem>>)
    %dma_wait3A_74 = arith.constant 0 : i32
    %dma_wait3A_75 = tpu.memref_slice %arg4[%add3A_33, %dma_wait3A_74] : memref<65536x128xf32, #tpu.memory_space<hbm>> -> memref<128x128xf32, #tpu.memory_space<hbm>>
    %dma_wait3A_76 = arith.constant 0 : i32
    %dma_wait3A_77 = tpu.memref_slice %arg4[%add3A_33, %dma_wait3A_76] : memref<65536x128xf32, #tpu.memory_space<hbm>> -> memref<128x128xf32, #tpu.memory_space<hbm>>
    tpu.wait_dma2 semaphore(%arg15 : memref<!tpu.dma_semaphore, #tpu.memory_space<semaphore_mem>>) src(%arg7 : memref<128x128xf32, #tpu.memory_space<vmem>>) dst(%dma_wait3A_77 : memref<128x128xf32, #tpu.memory_space<hbm>>)
    %dma_start3A_78 = arith.constant 640 : i32
    %dma_start3A_79 = tpu.memref_slice %arg5[%dma_start3A_78] : memref<2048xi32, #tpu.memory_space<vmem>> -> memref<128xi32, #tpu.memory_space<vmem>>
    %dma_start3A_80 = arith.constant 0 : i32
    %dma_start3A_81 = arith.constant 0 : i32
    %dma_start3A_82 = tpu.memref_slice %arg2[%dma_start3A_80, %dma_start3A_81] : memref<8192x128xf32, #tpu.memory_space<hbm>> -> memref<8192x128xf32, #tpu.memory_space<hbm>>
    tpu.enqueue_indirect_dma source(%dma_start3A_82 : memref<8192x128xf32, #tpu.memory_space<hbm>>) target(%arg7 : memref<128x128xf32, #tpu.memory_space<vmem>>) offsets(%dma_start3A_79 : memref<128xi32, #tpu.memory_space<vmem>>) semaphore(%arg11 : memref<!tpu.dma_semaphore, #tpu.memory_space<semaphore_mem>>)
    %dma_wait3A_83 = arith.constant 512 : i32
    %dma_wait3A_84 = tpu.memref_slice %arg5[%dma_wait3A_83] : memref<2048xi32, #tpu.memory_space<vmem>> -> memref<128xi32, #tpu.memory_space<vmem>>
    %dma_wait3A_85 = arith.constant 0 : i32
    %dma_wait3A_86 = arith.constant 0 : i32
    %dma_wait3A_87 = tpu.memref_slice %arg2[%dma_wait3A_85, %dma_wait3A_86] : memref<8192x128xf32, #tpu.memory_space<hbm>> -> memref<8192x128xf32, #tpu.memory_space<hbm>>
    tpu.wait_indirect_dma semaphore(%arg10 : memref<!tpu.dma_semaphore, #tpu.memory_space<semaphore_mem>>) src(%dma_wait3A_87 : memref<8192x128xf32, #tpu.memory_space<hbm>>) dst(%arg6 : memref<128x128xf32, #tpu.memory_space<vmem>>)
    %add3A_88 = arith.constant 512 : i32
    %add3A_89 = arith.addi %mul3A_2, %add3A_88 : i32
    %dma_start3A_90 = arith.constant 0 : i32
    %dma_start3A_91 = tpu.memref_slice %arg4[%add3A_89, %dma_start3A_90] : memref<65536x128xf32, #tpu.memory_space<hbm>> -> memref<128x128xf32, #tpu.memory_space<hbm>>
    %dma_start3A_92 = arith.constant 0 : i32
    %dma_start3A_93 = tpu.memref_slice %arg4[%add3A_89, %dma_start3A_92] : memref<65536x128xf32, #tpu.memory_space<hbm>> -> memref<128x128xf32, #tpu.memory_space<hbm>>
    tpu.enqueue_dma source(%arg6 : memref<128x128xf32, #tpu.memory_space<vmem>>) target(%dma_start3A_93 : memref<128x128xf32, #tpu.memory_space<hbm>>) target_semaphore(%arg14 : memref<!tpu.dma_semaphore, #tpu.memory_space<semaphore_mem>>)
    %dma_wait3A_94 = arith.constant 0 : i32
    %dma_wait3A_95 = tpu.memref_slice %arg4[%add3A_49, %dma_wait3A_94] : memref<65536x128xf32, #tpu.memory_space<hbm>> -> memref<128x128xf32, #tpu.memory_space<hbm>>
    %dma_wait3A_96 = arith.constant 0 : i32
    %dma_wait3A_97 = tpu.memref_slice %arg4[%add3A_49, %dma_wait3A_96] : memref<65536x128xf32, #tpu.memory_space<hbm>> -> memref<128x128xf32, #tpu.memory_space<hbm>>
    tpu.wait_dma2 semaphore(%arg16 : memref<!tpu.dma_semaphore, #tpu.memory_space<semaphore_mem>>) src(%arg8 : memref<128x128xf32, #tpu.memory_space<vmem>>) dst(%dma_wait3A_97 : memref<128x128xf32, #tpu.memory_space<hbm>>)
    %dma_start3A_98 = arith.constant 768 : i32
    %dma_start3A_99 = tpu.memref_slice %arg5[%dma_start3A_98] : memref<2048xi32, #tpu.memory_space<vmem>> -> memref<128xi32, #tpu.memory_space<vmem>>
    %dma_start3A_100 = arith.constant 0 : i32
    %dma_start3A_101 = arith.constant 0 : i32
    %dma_start3A_102 = tpu.memref_slice %arg2[%dma_start3A_100, %dma_start3A_101] : memref<8192x128xf32, #tpu.memory_space<hbm>> -> memref<8192x128xf32, #tpu.memory_space<hbm>>
    tpu.enqueue_indirect_dma source(%dma_start3A_102 : memref<8192x128xf32, #tpu.memory_space<hbm>>) target(%arg8 : memref<128x128xf32, #tpu.memory_space<vmem>>) offsets(%dma_start3A_99 : memref<128xi32, #tpu.memory_space<vmem>>) semaphore(%arg12 : memref<!tpu.dma_semaphore, #tpu.memory_space<semaphore_mem>>)
    %dma_wait3A_103 = arith.constant 640 : i32
    %dma_wait3A_104 = tpu.memref_slice %arg5[%dma_wait3A_103] : memref<2048xi32, #tpu.memory_space<vmem>> -> memref<128xi32, #tpu.memory_space<vmem>>
    %dma_wait3A_105 = arith.constant 0 : i32
    %dma_wait3A_106 = arith.constant 0 : i32
    %dma_wait3A_107 = tpu.memref_slice %arg2[%dma_wait3A_105, %dma_wait3A_106] : memref<8192x128xf32, #tpu.memory_space<hbm>> -> memref<8192x128xf32, #tpu.memory_space<hbm>>
    tpu.wait_indirect_dma semaphore(%arg11 : memref<!tpu.dma_semaphore, #tpu.memory_space<semaphore_mem>>) src(%dma_wait3A_107 : memref<8192x128xf32, #tpu.memory_space<hbm>>) dst(%arg7 : memref<128x128xf32, #tpu.memory_space<vmem>>)
    %add3A_108 = arith.constant 640 : i32
    %add3A_109 = arith.addi %mul3A_2, %add3A_108 : i32
    %dma_start3A_110 = arith.constant 0 : i32
    %dma_start3A_111 = tpu.memref_slice %arg4[%add3A_109, %dma_start3A_110] : memref<65536x128xf32, #tpu.memory_space<hbm>> -> memref<128x128xf32, #tpu.memory_space<hbm>>
    %dma_start3A_112 = arith.constant 0 : i32
    %dma_start3A_113 = tpu.memref_slice %arg4[%add3A_109, %dma_start3A_112] : memref<65536x128xf32, #tpu.memory_space<hbm>> -> memref<128x128xf32, #tpu.memory_space<hbm>>
    tpu.enqueue_dma source(%arg7 : memref<128x128xf32, #tpu.memory_space<vmem>>) target(%dma_start3A_113 : memref<128x128xf32, #tpu.memory_space<hbm>>) target_semaphore(%arg15 : memref<!tpu.dma_semaphore, #tpu.memory_space<semaphore_mem>>)
    %dma_wait3A_114 = arith.constant 0 : i32
    %dma_wait3A_115 = tpu.memref_slice %arg4[%add3A_69, %dma_wait3A_114] : memref<65536x128xf32, #tpu.memory_space<hbm>> -> memref<128x128xf32, #tpu.memory_space<hbm>>
    %dma_wait3A_116 = arith.constant 0 : i32
    %dma_wait3A_117 = tpu.memref_slice %arg4[%add3A_69, %dma_wait3A_116] : memref<65536x128xf32, #tpu.memory_space<hbm>> -> memref<128x128xf32, #tpu.memory_space<hbm>>
    tpu.wait_dma2 semaphore(%arg17 : memref<!tpu.dma_semaphore, #tpu.memory_space<semaphore_mem>>) src(%arg9 : memref<128x128xf32, #tpu.memory_space<vmem>>) dst(%dma_wait3A_117 : memref<128x128xf32, #tpu.memory_space<hbm>>)
    %dma_start3A_118 = arith.constant 896 : i32
    %dma_start3A_119 = tpu.memref_slice %arg5[%dma_start3A_118] : memref<2048xi32, #tpu.memory_space<vmem>> -> memref<128xi32, #tpu.memory_space<vmem>>
    %dma_start3A_120 = arith.constant 0 : i32
    %dma_start3A_121 = arith.constant 0 : i32
    %dma_start3A_122 = tpu.memref_slice %arg2[%dma_start3A_120, %dma_start3A_121] : memref<8192x128xf32, #tpu.memory_space<hbm>> -> memref<8192x128xf32, #tpu.memory_space<hbm>>
    tpu.enqueue_indirect_dma source(%dma_start3A_122 : memref<8192x128xf32, #tpu.memory_space<hbm>>) target(%arg9 : memref<128x128xf32, #tpu.memory_space<vmem>>) offsets(%dma_start3A_119 : memref<128xi32, #tpu.memory_space<vmem>>) semaphore(%arg13 : memref<!tpu.dma_semaphore, #tpu.memory_space<semaphore_mem>>)
    %dma_wait3A_123 = arith.constant 768 : i32
    %dma_wait3A_124 = tpu.memref_slice %arg5[%dma_wait3A_123] : memref<2048xi32, #tpu.memory_space<vmem>> -> memref<128xi32, #tpu.memory_space<vmem>>
    %dma_wait3A_125 = arith.constant 0 : i32
    %dma_wait3A_126 = arith.constant 0 : i32
    %dma_wait3A_127 = tpu.memref_slice %arg2[%dma_wait3A_125, %dma_wait3A_126] : memref<8192x128xf32, #tpu.memory_space<hbm>> -> memref<8192x128xf32, #tpu.memory_space<hbm>>
    tpu.wait_indirect_dma semaphore(%arg12 : memref<!tpu.dma_semaphore, #tpu.memory_space<semaphore_mem>>) src(%dma_wait3A_127 : memref<8192x128xf32, #tpu.memory_space<hbm>>) dst(%arg8 : memref<128x128xf32, #tpu.memory_space<vmem>>)
    %add3A_128 = arith.constant 768 : i32
    %add3A_129 = arith.addi %mul3A_2, %add3A_128 : i32
    %dma_start3A_130 = arith.constant 0 : i32
    %dma_start3A_131 = tpu.memref_slice %arg4[%add3A_129, %dma_start3A_130] : memref<65536x128xf32, #tpu.memory_space<hbm>> -> memref<128x128xf32, #tpu.memory_space<hbm>>
    %dma_start3A_132 = arith.constant 0 : i32
    %dma_start3A_133 = tpu.memref_slice %arg4[%add3A_129, %dma_start3A_132] : memref<65536x128xf32, #tpu.memory_space<hbm>> -> memref<128x128xf32, #tpu.memory_space<hbm>>
    tpu.enqueue_dma source(%arg8 : memref<128x128xf32, #tpu.memory_space<vmem>>) target(%dma_start3A_133 : memref<128x128xf32, #tpu.memory_space<hbm>>) target_semaphore(%arg16 : memref<!tpu.dma_semaphore, #tpu.memory_space<semaphore_mem>>)
    %dma_wait3A_134 = arith.constant 0 : i32
    %dma_wait3A_135 = tpu.memref_slice %arg4[%add3A_89, %dma_wait3A_134] : memref<65536x128xf32, #tpu.memory_space<hbm>> -> memref<128x128xf32, #tpu.memory_space<hbm>>
    %dma_wait3A_136 = arith.constant 0 : i32
    %dma_wait3A_137 = tpu.memref_slice %arg4[%add3A_89, %dma_wait3A_136] : memref<65536x128xf32, #tpu.memory_space<hbm>> -> memref<128x128xf32, #tpu.memory_space<hbm>>
    tpu.wait_dma2 semaphore(%arg14 : memref<!tpu.dma_semaphore, #tpu.memory_space<semaphore_mem>>) src(%arg6 : memref<128x128xf32, #tpu.memory_space<vmem>>) dst(%dma_wait3A_137 : memref<128x128xf32, #tpu.memory_space<hbm>>)
    %dma_start3A_138 = arith.constant 1024 : i32
    %dma_start3A_139 = tpu.memref_slice %arg5[%dma_start3A_138] : memref<2048xi32, #tpu.memory_space<vmem>> -> memref<128xi32, #tpu.memory_space<vmem>>
    %dma_start3A_140 = arith.constant 0 : i32
    %dma_start3A_141 = arith.constant 0 : i32
    %dma_start3A_142 = tpu.memref_slice %arg2[%dma_start3A_140, %dma_start3A_141] : memref<8192x128xf32, #tpu.memory_space<hbm>> -> memref<8192x128xf32, #tpu.memory_space<hbm>>
    tpu.enqueue_indirect_dma source(%dma_start3A_142 : memref<8192x128xf32, #tpu.memory_space<hbm>>) target(%arg6 : memref<128x128xf32, #tpu.memory_space<vmem>>) offsets(%dma_start3A_139 : memref<128xi32, #tpu.memory_space<vmem>>) semaphore(%arg10 : memref<!tpu.dma_semaphore, #tpu.memory_space<semaphore_mem>>)
    %dma_wait3A_143 = arith.constant 896 : i32
    %dma_wait3A_144 = tpu.memref_slice %arg5[%dma_wait3A_143] : memref<2048xi32, #tpu.memory_space<vmem>> -> memref<128xi32, #tpu.memory_space<vmem>>
    %dma_wait3A_145 = arith.constant 0 : i32
    %dma_wait3A_146 = arith.constant 0 : i32
    %dma_wait3A_147 = tpu.memref_slice %arg2[%dma_wait3A_145, %dma_wait3A_146] : memref<8192x128xf32, #tpu.memory_space<hbm>> -> memref<8192x128xf32, #tpu.memory_space<hbm>>
    tpu.wait_indirect_dma semaphore(%arg13 : memref<!tpu.dma_semaphore, #tpu.memory_space<semaphore_mem>>) src(%dma_wait3A_147 : memref<8192x128xf32, #tpu.memory_space<hbm>>) dst(%arg9 : memref<128x128xf32, #tpu.memory_space<vmem>>)
    %add3A_148 = arith.constant 896 : i32
    %add3A_149 = arith.addi %mul3A_2, %add3A_148 : i32
    %dma_start3A_150 = arith.constant 0 : i32
    %dma_start3A_151 = tpu.memref_slice %arg4[%add3A_149, %dma_start3A_150] : memref<65536x128xf32, #tpu.memory_space<hbm>> -> memref<128x128xf32, #tpu.memory_space<hbm>>
    %dma_start3A_152 = arith.constant 0 : i32
    %dma_start3A_153 = tpu.memref_slice %arg4[%add3A_149, %dma_start3A_152] : memref<65536x128xf32, #tpu.memory_space<hbm>> -> memref<128x128xf32, #tpu.memory_space<hbm>>
    tpu.enqueue_dma source(%arg9 : memref<128x128xf32, #tpu.memory_space<vmem>>) target(%dma_start3A_153 : memref<128x128xf32, #tpu.memory_space<hbm>>) target_semaphore(%arg17 : memref<!tpu.dma_semaphore, #tpu.memory_space<semaphore_mem>>)
    %dma_wait3A_154 = arith.constant 0 : i32
    %dma_wait3A_155 = tpu.memref_slice %arg4[%add3A_109, %dma_wait3A_154] : memref<65536x128xf32, #tpu.memory_space<hbm>> -> memref<128x128xf32, #tpu.memory_space<hbm>>
    %dma_wait3A_156 = arith.constant 0 : i32
    %dma_wait3A_157 = tpu.memref_slice %arg4[%add3A_109, %dma_wait3A_156] : memref<65536x128xf32, #tpu.memory_space<hbm>> -> memref<128x128xf32, #tpu.memory_space<hbm>>
    tpu.wait_dma2 semaphore(%arg15 : memref<!tpu.dma_semaphore, #tpu.memory_space<semaphore_mem>>) src(%arg7 : memref<128x128xf32, #tpu.memory_space<vmem>>) dst(%dma_wait3A_157 : memref<128x128xf32, #tpu.memory_space<hbm>>)
    %dma_start3A_158 = arith.constant 1152 : i32
    %dma_start3A_159 = tpu.memref_slice %arg5[%dma_start3A_158] : memref<2048xi32, #tpu.memory_space<vmem>> -> memref<128xi32, #tpu.memory_space<vmem>>
    %dma_start3A_160 = arith.constant 0 : i32
    %dma_start3A_161 = arith.constant 0 : i32
    %dma_start3A_162 = tpu.memref_slice %arg2[%dma_start3A_160, %dma_start3A_161] : memref<8192x128xf32, #tpu.memory_space<hbm>> -> memref<8192x128xf32, #tpu.memory_space<hbm>>
    tpu.enqueue_indirect_dma source(%dma_start3A_162 : memref<8192x128xf32, #tpu.memory_space<hbm>>) target(%arg7 : memref<128x128xf32, #tpu.memory_space<vmem>>) offsets(%dma_start3A_159 : memref<128xi32, #tpu.memory_space<vmem>>) semaphore(%arg11 : memref<!tpu.dma_semaphore, #tpu.memory_space<semaphore_mem>>)
    %dma_wait3A_163 = arith.constant 1024 : i32
    %dma_wait3A_164 = tpu.memref_slice %arg5[%dma_wait3A_163] : memref<2048xi32, #tpu.memory_space<vmem>> -> memref<128xi32, #tpu.memory_space<vmem>>
    %dma_wait3A_165 = arith.constant 0 : i32
    %dma_wait3A_166 = arith.constant 0 : i32
    %dma_wait3A_167 = tpu.memref_slice %arg2[%dma_wait3A_165, %dma_wait3A_166] : memref<8192x128xf32, #tpu.memory_space<hbm>> -> memref<8192x128xf32, #tpu.memory_space<hbm>>
    tpu.wait_indirect_dma semaphore(%arg10 : memref<!tpu.dma_semaphore, #tpu.memory_space<semaphore_mem>>) src(%dma_wait3A_167 : memref<8192x128xf32, #tpu.memory_space<hbm>>) dst(%arg6 : memref<128x128xf32, #tpu.memory_space<vmem>>)
    %add3A_168 = arith.constant 1024 : i32
    %add3A_169 = arith.addi %mul3A_2, %add3A_168 : i32
    %dma_start3A_170 = arith.constant 0 : i32
    %dma_start3A_171 = tpu.memref_slice %arg4[%add3A_169, %dma_start3A_170] : memref<65536x128xf32, #tpu.memory_space<hbm>> -> memref<128x128xf32, #tpu.memory_space<hbm>>
    %dma_start3A_172 = arith.constant 0 : i32
    %dma_start3A_173 = tpu.memref_slice %arg4[%add3A_169, %dma_start3A_172] : memref<65536x128xf32, #tpu.memory_space<hbm>> -> memref<128x128xf32, #tpu.memory_space<hbm>>
    tpu.enqueue_dma source(%arg6 : memref<128x128xf32, #tpu.memory_space<vmem>>) target(%dma_start3A_173 : memref<128x128xf32, #tpu.memory_space<hbm>>) target_semaphore(%arg14 : memref<!tpu.dma_semaphore, #tpu.memory_space<semaphore_mem>>)
    %dma_wait3A_174 = arith.constant 0 : i32
    %dma_wait3A_175 = tpu.memref_slice %arg4[%add3A_129, %dma_wait3A_174] : memref<65536x128xf32, #tpu.memory_space<hbm>> -> memref<128x128xf32, #tpu.memory_space<hbm>>
    %dma_wait3A_176 = arith.constant 0 : i32
    %dma_wait3A_177 = tpu.memref_slice %arg4[%add3A_129, %dma_wait3A_176] : memref<65536x128xf32, #tpu.memory_space<hbm>> -> memref<128x128xf32, #tpu.memory_space<hbm>>
    tpu.wait_dma2 semaphore(%arg16 : memref<!tpu.dma_semaphore, #tpu.memory_space<semaphore_mem>>) src(%arg8 : memref<128x128xf32, #tpu.memory_space<vmem>>) dst(%dma_wait3A_177 : memref<128x128xf32, #tpu.memory_space<hbm>>)
    %dma_start3A_178 = arith.constant 1280 : i32
    %dma_start3A_179 = tpu.memref_slice %arg5[%dma_start3A_178] : memref<2048xi32, #tpu.memory_space<vmem>> -> memref<128xi32, #tpu.memory_space<vmem>>
    %dma_start3A_180 = arith.constant 0 : i32
    %dma_start3A_181 = arith.constant 0 : i32
    %dma_start3A_182 = tpu.memref_slice %arg2[%dma_start3A_180, %dma_start3A_181] : memref<8192x128xf32, #tpu.memory_space<hbm>> -> memref<8192x128xf32, #tpu.memory_space<hbm>>
    tpu.enqueue_indirect_dma source(%dma_start3A_182 : memref<8192x128xf32, #tpu.memory_space<hbm>>) target(%arg8 : memref<128x128xf32, #tpu.memory_space<vmem>>) offsets(%dma_start3A_179 : memref<128xi32, #tpu.memory_space<vmem>>) semaphore(%arg12 : memref<!tpu.dma_semaphore, #tpu.memory_space<semaphore_mem>>)
    %dma_wait3A_183 = arith.constant 1152 : i32
    %dma_wait3A_184 = tpu.memref_slice %arg5[%dma_wait3A_183] : memref<2048xi32, #tpu.memory_space<vmem>> -> memref<128xi32, #tpu.memory_space<vmem>>
    %dma_wait3A_185 = arith.constant 0 : i32
    %dma_wait3A_186 = arith.constant 0 : i32
    %dma_wait3A_187 = tpu.memref_slice %arg2[%dma_wait3A_185, %dma_wait3A_186] : memref<8192x128xf32, #tpu.memory_space<hbm>> -> memref<8192x128xf32, #tpu.memory_space<hbm>>
    tpu.wait_indirect_dma semaphore(%arg11 : memref<!tpu.dma_semaphore, #tpu.memory_space<semaphore_mem>>) src(%dma_wait3A_187 : memref<8192x128xf32, #tpu.memory_space<hbm>>) dst(%arg7 : memref<128x128xf32, #tpu.memory_space<vmem>>)
    %add3A_188 = arith.constant 1152 : i32
    %add3A_189 = arith.addi %mul3A_2, %add3A_188 : i32
    %dma_start3A_190 = arith.constant 0 : i32
    %dma_start3A_191 = tpu.memref_slice %arg4[%add3A_189, %dma_start3A_190] : memref<65536x128xf32, #tpu.memory_space<hbm>> -> memref<128x128xf32, #tpu.memory_space<hbm>>
    %dma_start3A_192 = arith.constant 0 : i32
    %dma_start3A_193 = tpu.memref_slice %arg4[%add3A_189, %dma_start3A_192] : memref<65536x128xf32, #tpu.memory_space<hbm>> -> memref<128x128xf32, #tpu.memory_space<hbm>>
    tpu.enqueue_dma source(%arg7 : memref<128x128xf32, #tpu.memory_space<vmem>>) target(%dma_start3A_193 : memref<128x128xf32, #tpu.memory_space<hbm>>) target_semaphore(%arg15 : memref<!tpu.dma_semaphore, #tpu.memory_space<semaphore_mem>>)
    %dma_wait3A_194 = arith.constant 0 : i32
    %dma_wait3A_195 = tpu.memref_slice %arg4[%add3A_149, %dma_wait3A_194] : memref<65536x128xf32, #tpu.memory_space<hbm>> -> memref<128x128xf32, #tpu.memory_space<hbm>>
    %dma_wait3A_196 = arith.constant 0 : i32
    %dma_wait3A_197 = tpu.memref_slice %arg4[%add3A_149, %dma_wait3A_196] : memref<65536x128xf32, #tpu.memory_space<hbm>> -> memref<128x128xf32, #tpu.memory_space<hbm>>
    tpu.wait_dma2 semaphore(%arg17 : memref<!tpu.dma_semaphore, #tpu.memory_space<semaphore_mem>>) src(%arg9 : memref<128x128xf32, #tpu.memory_space<vmem>>) dst(%dma_wait3A_197 : memref<128x128xf32, #tpu.memory_space<hbm>>)
    %dma_start3A_198 = arith.constant 1408 : i32
    %dma_start3A_199 = tpu.memref_slice %arg5[%dma_start3A_198] : memref<2048xi32, #tpu.memory_space<vmem>> -> memref<128xi32, #tpu.memory_space<vmem>>
    %dma_start3A_200 = arith.constant 0 : i32
    %dma_start3A_201 = arith.constant 0 : i32
    %dma_start3A_202 = tpu.memref_slice %arg2[%dma_start3A_200, %dma_start3A_201] : memref<8192x128xf32, #tpu.memory_space<hbm>> -> memref<8192x128xf32, #tpu.memory_space<hbm>>
    tpu.enqueue_indirect_dma source(%dma_start3A_202 : memref<8192x128xf32, #tpu.memory_space<hbm>>) target(%arg9 : memref<128x128xf32, #tpu.memory_space<vmem>>) offsets(%dma_start3A_199 : memref<128xi32, #tpu.memory_space<vmem>>) semaphore(%arg13 : memref<!tpu.dma_semaphore, #tpu.memory_space<semaphore_mem>>)
    %dma_wait3A_203 = arith.constant 1280 : i32
    %dma_wait3A_204 = tpu.memref_slice %arg5[%dma_wait3A_203] : memref<2048xi32, #tpu.memory_space<vmem>> -> memref<128xi32, #tpu.memory_space<vmem>>
    %dma_wait3A_205 = arith.constant 0 : i32
    %dma_wait3A_206 = arith.constant 0 : i32
    %dma_wait3A_207 = tpu.memref_slice %arg2[%dma_wait3A_205, %dma_wait3A_206] : memref<8192x128xf32, #tpu.memory_space<hbm>> -> memref<8192x128xf32, #tpu.memory_space<hbm>>
    tpu.wait_indirect_dma semaphore(%arg12 : memref<!tpu.dma_semaphore, #tpu.memory_space<semaphore_mem>>) src(%dma_wait3A_207 : memref<8192x128xf32, #tpu.memory_space<hbm>>) dst(%arg8 : memref<128x128xf32, #tpu.memory_space<vmem>>)
    %add3A_208 = arith.constant 1280 : i32
    %add3A_209 = arith.addi %mul3A_2, %add3A_208 : i32
    %dma_start3A_210 = arith.constant 0 : i32
    %dma_start3A_211 = tpu.memref_slice %arg4[%add3A_209, %dma_start3A_210] : memref<65536x128xf32, #tpu.memory_space<hbm>> -> memref<128x128xf32, #tpu.memory_space<hbm>>
    %dma_start3A_212 = arith.constant 0 : i32
    %dma_start3A_213 = tpu.memref_slice %arg4[%add3A_209, %dma_start3A_212] : memref<65536x128xf32, #tpu.memory_space<hbm>> -> memref<128x128xf32, #tpu.memory_space<hbm>>
    tpu.enqueue_dma source(%arg8 : memref<128x128xf32, #tpu.memory_space<vmem>>) target(%dma_start3A_213 : memref<128x128xf32, #tpu.memory_space<hbm>>) target_semaphore(%arg16 : memref<!tpu.dma_semaphore, #tpu.memory_space<semaphore_mem>>)
    %dma_wait3A_214 = arith.constant 0 : i32
    %dma_wait3A_215 = tpu.memref_slice %arg4[%add3A_169, %dma_wait3A_214] : memref<65536x128xf32, #tpu.memory_space<hbm>> -> memref<128x128xf32, #tpu.memory_space<hbm>>
    %dma_wait3A_216 = arith.constant 0 : i32
    %dma_wait3A_217 = tpu.memref_slice %arg4[%add3A_169, %dma_wait3A_216] : memref<65536x128xf32, #tpu.memory_space<hbm>> -> memref<128x128xf32, #tpu.memory_space<hbm>>
    tpu.wait_dma2 semaphore(%arg14 : memref<!tpu.dma_semaphore, #tpu.memory_space<semaphore_mem>>) src(%arg6 : memref<128x128xf32, #tpu.memory_space<vmem>>) dst(%dma_wait3A_217 : memref<128x128xf32, #tpu.memory_space<hbm>>)
    %dma_start3A_218 = arith.constant 1536 : i32
    %dma_start3A_219 = tpu.memref_slice %arg5[%dma_start3A_218] : memref<2048xi32, #tpu.memory_space<vmem>> -> memref<128xi32, #tpu.memory_space<vmem>>
    %dma_start3A_220 = arith.constant 0 : i32
    %dma_start3A_221 = arith.constant 0 : i32
    %dma_start3A_222 = tpu.memref_slice %arg2[%dma_start3A_220, %dma_start3A_221] : memref<8192x128xf32, #tpu.memory_space<hbm>> -> memref<8192x128xf32, #tpu.memory_space<hbm>>
    tpu.enqueue_indirect_dma source(%dma_start3A_222 : memref<8192x128xf32, #tpu.memory_space<hbm>>) target(%arg6 : memref<128x128xf32, #tpu.memory_space<vmem>>) offsets(%dma_start3A_219 : memref<128xi32, #tpu.memory_space<vmem>>) semaphore(%arg10 : memref<!tpu.dma_semaphore, #tpu.memory_space<semaphore_mem>>)
    %dma_wait3A_223 = arith.constant 1408 : i32
    %dma_wait3A_224 = tpu.memref_slice %arg5[%dma_wait3A_223] : memref<2048xi32, #tpu.memory_space<vmem>> -> memref<128xi32, #tpu.memory_space<vmem>>
    %dma_wait3A_225 = arith.constant 0 : i32
    %dma_wait3A_226 = arith.constant 0 : i32
    %dma_wait3A_227 = tpu.memref_slice %arg2[%dma_wait3A_225, %dma_wait3A_226] : memref<8192x128xf32, #tpu.memory_space<hbm>> -> memref<8192x128xf32, #tpu.memory_space<hbm>>
    tpu.wait_indirect_dma semaphore(%arg13 : memref<!tpu.dma_semaphore, #tpu.memory_space<semaphore_mem>>) src(%dma_wait3A_227 : memref<8192x128xf32, #tpu.memory_space<hbm>>) dst(%arg9 : memref<128x128xf32, #tpu.memory_space<vmem>>)
    %add3A_228 = arith.constant 1408 : i32
    %add3A_229 = arith.addi %mul3A_2, %add3A_228 : i32
    %dma_start3A_230 = arith.constant 0 : i32
    %dma_start3A_231 = tpu.memref_slice %arg4[%add3A_229, %dma_start3A_230] : memref<65536x128xf32, #tpu.memory_space<hbm>> -> memref<128x128xf32, #tpu.memory_space<hbm>>
    %dma_start3A_232 = arith.constant 0 : i32
    %dma_start3A_233 = tpu.memref_slice %arg4[%add3A_229, %dma_start3A_232] : memref<65536x128xf32, #tpu.memory_space<hbm>> -> memref<128x128xf32, #tpu.memory_space<hbm>>
    tpu.enqueue_dma source(%arg9 : memref<128x128xf32, #tpu.memory_space<vmem>>) target(%dma_start3A_233 : memref<128x128xf32, #tpu.memory_space<hbm>>) target_semaphore(%arg17 : memref<!tpu.dma_semaphore, #tpu.memory_space<semaphore_mem>>)
    %dma_wait3A_234 = arith.constant 0 : i32
    %dma_wait3A_235 = tpu.memref_slice %arg4[%add3A_189, %dma_wait3A_234] : memref<65536x128xf32, #tpu.memory_space<hbm>> -> memref<128x128xf32, #tpu.memory_space<hbm>>
    %dma_wait3A_236 = arith.constant 0 : i32
    %dma_wait3A_237 = tpu.memref_slice %arg4[%add3A_189, %dma_wait3A_236] : memref<65536x128xf32, #tpu.memory_space<hbm>> -> memref<128x128xf32, #tpu.memory_space<hbm>>
    tpu.wait_dma2 semaphore(%arg15 : memref<!tpu.dma_semaphore, #tpu.memory_space<semaphore_mem>>) src(%arg7 : memref<128x128xf32, #tpu.memory_space<vmem>>) dst(%dma_wait3A_237 : memref<128x128xf32, #tpu.memory_space<hbm>>)
    %dma_start3A_238 = arith.constant 1664 : i32
    %dma_start3A_239 = tpu.memref_slice %arg5[%dma_start3A_238] : memref<2048xi32, #tpu.memory_space<vmem>> -> memref<128xi32, #tpu.memory_space<vmem>>
    %dma_start3A_240 = arith.constant 0 : i32
    %dma_start3A_241 = arith.constant 0 : i32
    %dma_start3A_242 = tpu.memref_slice %arg2[%dma_start3A_240, %dma_start3A_241] : memref<8192x128xf32, #tpu.memory_space<hbm>> -> memref<8192x128xf32, #tpu.memory_space<hbm>>
    tpu.enqueue_indirect_dma source(%dma_start3A_242 : memref<8192x128xf32, #tpu.memory_space<hbm>>) target(%arg7 : memref<128x128xf32, #tpu.memory_space<vmem>>) offsets(%dma_start3A_239 : memref<128xi32, #tpu.memory_space<vmem>>) semaphore(%arg11 : memref<!tpu.dma_semaphore, #tpu.memory_space<semaphore_mem>>)
    %dma_wait3A_243 = arith.constant 1536 : i32
    %dma_wait3A_244 = tpu.memref_slice %arg5[%dma_wait3A_243] : memref<2048xi32, #tpu.memory_space<vmem>> -> memref<128xi32, #tpu.memory_space<vmem>>
    %dma_wait3A_245 = arith.constant 0 : i32
    %dma_wait3A_246 = arith.constant 0 : i32
    %dma_wait3A_247 = tpu.memref_slice %arg2[%dma_wait3A_245, %dma_wait3A_246] : memref<8192x128xf32, #tpu.memory_space<hbm>> -> memref<8192x128xf32, #tpu.memory_space<hbm>>
    tpu.wait_indirect_dma semaphore(%arg10 : memref<!tpu.dma_semaphore, #tpu.memory_space<semaphore_mem>>) src(%dma_wait3A_247 : memref<8192x128xf32, #tpu.memory_space<hbm>>) dst(%arg6 : memref<128x128xf32, #tpu.memory_space<vmem>>)
    %add3A_248 = arith.constant 1536 : i32
    %add3A_249 = arith.addi %mul3A_2, %add3A_248 : i32
    %dma_start3A_250 = arith.constant 0 : i32
    %dma_start3A_251 = tpu.memref_slice %arg4[%add3A_249, %dma_start3A_250] : memref<65536x128xf32, #tpu.memory_space<hbm>> -> memref<128x128xf32, #tpu.memory_space<hbm>>
    %dma_start3A_252 = arith.constant 0 : i32
    %dma_start3A_253 = tpu.memref_slice %arg4[%add3A_249, %dma_start3A_252] : memref<65536x128xf32, #tpu.memory_space<hbm>> -> memref<128x128xf32, #tpu.memory_space<hbm>>
    tpu.enqueue_dma source(%arg6 : memref<128x128xf32, #tpu.memory_space<vmem>>) target(%dma_start3A_253 : memref<128x128xf32, #tpu.memory_space<hbm>>) target_semaphore(%arg14 : memref<!tpu.dma_semaphore, #tpu.memory_space<semaphore_mem>>)
    %dma_wait3A_254 = arith.constant 0 : i32
    %dma_wait3A_255 = tpu.memref_slice %arg4[%add3A_209, %dma_wait3A_254] : memref<65536x128xf32, #tpu.memory_space<hbm>> -> memref<128x128xf32, #tpu.memory_space<hbm>>
    %dma_wait3A_256 = arith.constant 0 : i32
    %dma_wait3A_257 = tpu.memref_slice %arg4[%add3A_209, %dma_wait3A_256] : memref<65536x128xf32, #tpu.memory_space<hbm>> -> memref<128x128xf32, #tpu.memory_space<hbm>>
    tpu.wait_dma2 semaphore(%arg16 : memref<!tpu.dma_semaphore, #tpu.memory_space<semaphore_mem>>) src(%arg8 : memref<128x128xf32, #tpu.memory_space<vmem>>) dst(%dma_wait3A_257 : memref<128x128xf32, #tpu.memory_space<hbm>>)
    %dma_start3A_258 = arith.constant 1792 : i32
    %dma_start3A_259 = tpu.memref_slice %arg5[%dma_start3A_258] : memref<2048xi32, #tpu.memory_space<vmem>> -> memref<128xi32, #tpu.memory_space<vmem>>
    %dma_start3A_260 = arith.constant 0 : i32
    %dma_start3A_261 = arith.constant 0 : i32
    %dma_start3A_262 = tpu.memref_slice %arg2[%dma_start3A_260, %dma_start3A_261] : memref<8192x128xf32, #tpu.memory_space<hbm>> -> memref<8192x128xf32, #tpu.memory_space<hbm>>
    tpu.enqueue_indirect_dma source(%dma_start3A_262 : memref<8192x128xf32, #tpu.memory_space<hbm>>) target(%arg8 : memref<128x128xf32, #tpu.memory_space<vmem>>) offsets(%dma_start3A_259 : memref<128xi32, #tpu.memory_space<vmem>>) semaphore(%arg12 : memref<!tpu.dma_semaphore, #tpu.memory_space<semaphore_mem>>)
    %dma_wait3A_263 = arith.constant 1664 : i32
    %dma_wait3A_264 = tpu.memref_slice %arg5[%dma_wait3A_263] : memref<2048xi32, #tpu.memory_space<vmem>> -> memref<128xi32, #tpu.memory_space<vmem>>
    %dma_wait3A_265 = arith.constant 0 : i32
    %dma_wait3A_266 = arith.constant 0 : i32
    %dma_wait3A_267 = tpu.memref_slice %arg2[%dma_wait3A_265, %dma_wait3A_266] : memref<8192x128xf32, #tpu.memory_space<hbm>> -> memref<8192x128xf32, #tpu.memory_space<hbm>>
    tpu.wait_indirect_dma semaphore(%arg11 : memref<!tpu.dma_semaphore, #tpu.memory_space<semaphore_mem>>) src(%dma_wait3A_267 : memref<8192x128xf32, #tpu.memory_space<hbm>>) dst(%arg7 : memref<128x128xf32, #tpu.memory_space<vmem>>)
    %add3A_268 = arith.constant 1664 : i32
    %add3A_269 = arith.addi %mul3A_2, %add3A_268 : i32
    %dma_start3A_270 = arith.constant 0 : i32
    %dma_start3A_271 = tpu.memref_slice %arg4[%add3A_269, %dma_start3A_270] : memref<65536x128xf32, #tpu.memory_space<hbm>> -> memref<128x128xf32, #tpu.memory_space<hbm>>
    %dma_start3A_272 = arith.constant 0 : i32
    %dma_start3A_273 = tpu.memref_slice %arg4[%add3A_269, %dma_start3A_272] : memref<65536x128xf32, #tpu.memory_space<hbm>> -> memref<128x128xf32, #tpu.memory_space<hbm>>
    tpu.enqueue_dma source(%arg7 : memref<128x128xf32, #tpu.memory_space<vmem>>) target(%dma_start3A_273 : memref<128x128xf32, #tpu.memory_space<hbm>>) target_semaphore(%arg15 : memref<!tpu.dma_semaphore, #tpu.memory_space<semaphore_mem>>)
    %dma_wait3A_274 = arith.constant 0 : i32
    %dma_wait3A_275 = tpu.memref_slice %arg4[%add3A_229, %dma_wait3A_274] : memref<65536x128xf32, #tpu.memory_space<hbm>> -> memref<128x128xf32, #tpu.memory_space<hbm>>
    %dma_wait3A_276 = arith.constant 0 : i32
    %dma_wait3A_277 = tpu.memref_slice %arg4[%add3A_229, %dma_wait3A_276] : memref<65536x128xf32, #tpu.memory_space<hbm>> -> memref<128x128xf32, #tpu.memory_space<hbm>>
    tpu.wait_dma2 semaphore(%arg17 : memref<!tpu.dma_semaphore, #tpu.memory_space<semaphore_mem>>) src(%arg9 : memref<128x128xf32, #tpu.memory_space<vmem>>) dst(%dma_wait3A_277 : memref<128x128xf32, #tpu.memory_space<hbm>>)
    %dma_start3A_278 = arith.constant 1920 : i32
    %dma_start3A_279 = tpu.memref_slice %arg5[%dma_start3A_278] : memref<2048xi32, #tpu.memory_space<vmem>> -> memref<128xi32, #tpu.memory_space<vmem>>
    %dma_start3A_280 = arith.constant 0 : i32
    %dma_start3A_281 = arith.constant 0 : i32
    %dma_start3A_282 = tpu.memref_slice %arg2[%dma_start3A_280, %dma_start3A_281] : memref<8192x128xf32, #tpu.memory_space<hbm>> -> memref<8192x128xf32, #tpu.memory_space<hbm>>
    tpu.enqueue_indirect_dma source(%dma_start3A_282 : memref<8192x128xf32, #tpu.memory_space<hbm>>) target(%arg9 : memref<128x128xf32, #tpu.memory_space<vmem>>) offsets(%dma_start3A_279 : memref<128xi32, #tpu.memory_space<vmem>>) semaphore(%arg13 : memref<!tpu.dma_semaphore, #tpu.memory_space<semaphore_mem>>)
    %dma_wait3A_283 = arith.constant 1792 : i32
    %dma_wait3A_284 = tpu.memref_slice %arg5[%dma_wait3A_283] : memref<2048xi32, #tpu.memory_space<vmem>> -> memref<128xi32, #tpu.memory_space<vmem>>
    %dma_wait3A_285 = arith.constant 0 : i32
    %dma_wait3A_286 = arith.constant 0 : i32
    %dma_wait3A_287 = tpu.memref_slice %arg2[%dma_wait3A_285, %dma_wait3A_286] : memref<8192x128xf32, #tpu.memory_space<hbm>> -> memref<8192x128xf32, #tpu.memory_space<hbm>>
    tpu.wait_indirect_dma semaphore(%arg12 : memref<!tpu.dma_semaphore, #tpu.memory_space<semaphore_mem>>) src(%dma_wait3A_287 : memref<8192x128xf32, #tpu.memory_space<hbm>>) dst(%arg8 : memref<128x128xf32, #tpu.memory_space<vmem>>)
    %add3A_288 = arith.constant 1792 : i32
    %add3A_289 = arith.addi %mul3A_2, %add3A_288 : i32
    %dma_start3A_290 = arith.constant 0 : i32
    %dma_start3A_291 = tpu.memref_slice %arg4[%add3A_289, %dma_start3A_290] : memref<65536x128xf32, #tpu.memory_space<hbm>> -> memref<128x128xf32, #tpu.memory_space<hbm>>
    %dma_start3A_292 = arith.constant 0 : i32
    %dma_start3A_293 = tpu.memref_slice %arg4[%add3A_289, %dma_start3A_292] : memref<65536x128xf32, #tpu.memory_space<hbm>> -> memref<128x128xf32, #tpu.memory_space<hbm>>
    tpu.enqueue_dma source(%arg8 : memref<128x128xf32, #tpu.memory_space<vmem>>) target(%dma_start3A_293 : memref<128x128xf32, #tpu.memory_space<hbm>>) target_semaphore(%arg16 : memref<!tpu.dma_semaphore, #tpu.memory_space<semaphore_mem>>)
    %dma_wait3A_294 = arith.constant 1920 : i32
    %dma_wait3A_295 = tpu.memref_slice %arg5[%dma_wait3A_294] : memref<2048xi32, #tpu.memory_space<vmem>> -> memref<128xi32, #tpu.memory_space<vmem>>
    %dma_wait3A_296 = arith.constant 0 : i32
    %dma_wait3A_297 = arith.constant 0 : i32
    %dma_wait3A_298 = tpu.memref_slice %arg2[%dma_wait3A_296, %dma_wait3A_297] : memref<8192x128xf32, #tpu.memory_space<hbm>> -> memref<8192x128xf32, #tpu.memory_space<hbm>>
    tpu.wait_indirect_dma semaphore(%arg13 : memref<!tpu.dma_semaphore, #tpu.memory_space<semaphore_mem>>) src(%dma_wait3A_298 : memref<8192x128xf32, #tpu.memory_space<hbm>>) dst(%arg9 : memref<128x128xf32, #tpu.memory_space<vmem>>)
    %add3A_299 = arith.constant 1920 : i32
    %add3A_300 = arith.addi %mul3A_2, %add3A_299 : i32
    %dma_start3A_301 = arith.constant 0 : i32
    %dma_start3A_302 = tpu.memref_slice %arg4[%add3A_300, %dma_start3A_301] : memref<65536x128xf32, #tpu.memory_space<hbm>> -> memref<128x128xf32, #tpu.memory_space<hbm>>
    %dma_start3A_303 = arith.constant 0 : i32
    %dma_start3A_304 = tpu.memref_slice %arg4[%add3A_300, %dma_start3A_303] : memref<65536x128xf32, #tpu.memory_space<hbm>> -> memref<128x128xf32, #tpu.memory_space<hbm>>
    tpu.enqueue_dma source(%arg9 : memref<128x128xf32, #tpu.memory_space<vmem>>) target(%dma_start3A_304 : memref<128x128xf32, #tpu.memory_space<hbm>>) target_semaphore(%arg17 : memref<!tpu.dma_semaphore, #tpu.memory_space<semaphore_mem>>)
    %dma_wait3A_305 = arith.constant 0 : i32
    %dma_wait3A_306 = tpu.memref_slice %arg4[%add3A_249, %dma_wait3A_305] : memref<65536x128xf32, #tpu.memory_space<hbm>> -> memref<128x128xf32, #tpu.memory_space<hbm>>
    %dma_wait3A_307 = arith.constant 0 : i32
    %dma_wait3A_308 = tpu.memref_slice %arg4[%add3A_249, %dma_wait3A_307] : memref<65536x128xf32, #tpu.memory_space<hbm>> -> memref<128x128xf32, #tpu.memory_space<hbm>>
    tpu.wait_dma2 semaphore(%arg14 : memref<!tpu.dma_semaphore, #tpu.memory_space<semaphore_mem>>) src(%arg6 : memref<128x128xf32, #tpu.memory_space<vmem>>) dst(%dma_wait3A_308 : memref<128x128xf32, #tpu.memory_space<hbm>>)
    %dma_wait3A_309 = arith.constant 0 : i32
    %dma_wait3A_310 = tpu.memref_slice %arg4[%add3A_269, %dma_wait3A_309] : memref<65536x128xf32, #tpu.memory_space<hbm>> -> memref<128x128xf32, #tpu.memory_space<hbm>>
    %dma_wait3A_311 = arith.constant 0 : i32
    %dma_wait3A_312 = tpu.memref_slice %arg4[%add3A_269, %dma_wait3A_311] : memref<65536x128xf32, #tpu.memory_space<hbm>> -> memref<128x128xf32, #tpu.memory_space<hbm>>
    tpu.wait_dma2 semaphore(%arg15 : memref<!tpu.dma_semaphore, #tpu.memory_space<semaphore_mem>>) src(%arg7 : memref<128x128xf32, #tpu.memory_space<vmem>>) dst(%dma_wait3A_312 : memref<128x128xf32, #tpu.memory_space<hbm>>)
    %dma_wait3A_313 = arith.constant 0 : i32
    %dma_wait3A_314 = tpu.memref_slice %arg4[%add3A_289, %dma_wait3A_313] : memref<65536x128xf32, #tpu.memory_space<hbm>> -> memref<128x128xf32, #tpu.memory_space<hbm>>
    %dma_wait3A_315 = arith.constant 0 : i32
    %dma_wait3A_316 = tpu.memref_slice %arg4[%add3A_289, %dma_wait3A_315] : memref<65536x128xf32, #tpu.memory_space<hbm>> -> memref<128x128xf32, #tpu.memory_space<hbm>>
    tpu.wait_dma2 semaphore(%arg16 : memref<!tpu.dma_semaphore, #tpu.memory_space<semaphore_mem>>) src(%arg8 : memref<128x128xf32, #tpu.memory_space<vmem>>) dst(%dma_wait3A_316 : memref<128x128xf32, #tpu.memory_space<hbm>>)
    %dma_wait3A_317 = arith.constant 0 : i32
    %dma_wait3A_318 = tpu.memref_slice %arg4[%add3A_300, %dma_wait3A_317] : memref<65536x128xf32, #tpu.memory_space<hbm>> -> memref<128x128xf32, #tpu.memory_space<hbm>>
    %dma_wait3A_319 = arith.constant 0 : i32
    %dma_wait3A_320 = tpu.memref_slice %arg4[%add3A_300, %dma_wait3A_319] : memref<65536x128xf32, #tpu.memory_space<hbm>> -> memref<128x128xf32, #tpu.memory_space<hbm>>
    tpu.wait_dma2 semaphore(%arg17 : memref<!tpu.dma_semaphore, #tpu.memory_space<semaphore_mem>>) src(%arg9 : memref<128x128xf32, #tpu.memory_space<vmem>>) dst(%dma_wait3A_320 : memref<128x128xf32, #tpu.memory_space<hbm>>)
    return
  }
}

module attributes {stable_mosaic.version = 14 : i64} {
  func.func @_dist_body(%arg0: i32, %arg1: memref<512x1xf32, #tpu.memory_space<vmem>>, %arg2: memref<1x8192xf32, #tpu.memory_space<vmem>>, %arg3: memref<512x64xf32, #tpu.memory_space<vmem>>, %arg4: memref<8192x64xf32, #tpu.memory_space<vmem>>, %arg5: memref<1x512xi32, #tpu.memory_space<vmem>>, %arg6: memref<1x1xf32, #tpu.memory_space<vmem>>) attributes {dimension_semantics = [#tpu.dimension_semantics<arbitrary>], iteration_bounds = array<i64: 128>, scalar_prefetch = 0 : i64, scratch_operands = 0 : i64, tpu.core_type = #tpu.core_type<tc>, window_params = [{transform_indices = @transform_0, window_bounds = array<i64: 512, 1>}, {pipeline_mode = #tpu.pipeline_mode<synchronous>, transform_indices = @transform_1, window_bounds = array<i64: 1, 8192>}, {transform_indices = @transform_2, window_bounds = array<i64: 512, 64>}, {pipeline_mode = #tpu.pipeline_mode<synchronous>, transform_indices = @transform_3, window_bounds = array<i64: 8192, 64>}, {transform_indices = @transform_4, window_bounds = array<i64: 1, 512>}, {pipeline_mode = #tpu.pipeline_mode<synchronous>, transform_indices = @transform_5, window_bounds = array<i64: 1, 1>}]} {
    %eq3A = arith.constant 0 : i32
    %eq3A_0 = arith.cmpi eq, %arg0, %eq3A : i32
    %convert_element_type3A = arith.extui %eq3A_0 : i1 to i32
    %cond3A = arith.constant 0 : i32
    %cond3A_1 = arith.cmpi ne, %convert_element_type3A, %cond3A : i32
    scf.if %cond3A_1 {
      %broadcast_in_dim3A_324 = arith.constant 0.000000e+00 : f32
      %broadcast_in_dim3A_325 = vector.broadcast %broadcast_in_dim3A_324 : f32 to vector<1x1xf32>
      %swap3A_326 = arith.constant 0 : index
      %swap3A_327 = arith.constant 0 : index
      %swap3A_328 = vector.load %arg6[%swap3A_326, %swap3A_327] : memref<1x1xf32, #tpu.memory_space<vmem>>, vector<1x1xf32>
      tpu.vector_store %arg6[%swap3A_326, %swap3A_327], %broadcast_in_dim3A_325 {strides = array<i32>} : memref<1x1xf32, #tpu.memory_space<vmem>>, vector<1x1xf32>,
    } else {
    }
    %get3A = arith.constant 0 : index
    %get3A_2 = arith.constant 0 : index
    %get3A_3 = vector.load %arg3[%get3A, %get3A_2] : memref<512x64xf32, #tpu.memory_space<vmem>>, vector<512x64xf32>
    %get3A_4 = arith.constant 0 : index
    %get3A_5 = arith.constant 0 : index
    %get3A_6 = vector.load %arg1[%get3A_4, %get3A_5] : memref<512x1xf32, #tpu.memory_space<vmem>>, vector<512x1xf32>
    %slice3A = vector.extract_strided_slice %get3A_3 {offsets = [0, 0], sizes = [256, 64], strides = [1, 1]} : vector<512x64xf32> to vector<256x64xf32>
    %slice3A_7 = vector.extract_strided_slice %get3A_6 {offsets = [0, 0], sizes = [256, 1], strides = [1, 1]} : vector<512x1xf32> to vector<256x1xf32>
    %get3A_8 = arith.constant 0 : index
    %get3A_9 = arith.constant 0 : index
    %get3A_10 = vector.load %arg4[%get3A_8, %get3A_9] : memref<8192x64xf32, #tpu.memory_space<vmem>>, vector<2048x64xf32>
    %dot_general3A = arith.constant dense<0.000000e+00> : vector<256x2048xf32>
    %dot_general3A_11 = tpu.matmul %slice3A, %get3A_10, %dot_general3A {dimension_numbers = #tpu.dot_dimension_numbers<[1], [1], [0], [0], [0, 0, 1, 0], [], []>, transpose_lhs_hint = false} : vector<256x64xf32>, vector<2048x64xf32>, vector<256x2048xf32> -> vector<256x2048xf32>
    %get3A_12 = arith.constant 0 : index
    %get3A_13 = arith.constant 0 : index
    %get3A_14 = vector.load %arg2[%get3A_12, %get3A_13] : memref<1x8192xf32, #tpu.memory_space<vmem>>, vector<1x2048xf32>
    %add3A = vector.broadcast %slice3A_7 : vector<256x1xf32> to vector<256x2048xf32>
    %add3A_15 = vector.broadcast %get3A_14 : vector<1x2048xf32> to vector<256x2048xf32>
    %add3A_16 = arith.addf %add3A, %add3A_15 : vector<256x2048xf32>
    %sub3A = arith.subf %add3A_16, %dot_general3A_11 : vector<256x2048xf32>
    %max3A = arith.constant 1.17549435E-38 : f32
    %max3A_17 = vector.broadcast %max3A : f32 to vector<256x2048xf32>
    %max3A_18 = arith.maximumf %sub3A, %max3A_17 : vector<256x2048xf32>
    %rsqrt3A = math.rsqrt %max3A_18 : vector<256x2048xf32>
    %mul3A = arith.mulf %max3A_18, %rsqrt3A : vector<256x2048xf32>
    %reduce_min3A = arith.constant dense<0x7F800000> : vector<256xf32>
    %reduce_min3A_19 = vector.multi_reduction <minimumf>, %mul3A, %reduce_min3A [1] : vector<256x2048xf32> to vector<256xf32>
    %broadcast_in_dim3A = vector.shape_cast %reduce_min3A_19 : vector<256xf32> to vector<256x1xf32>
    %get3A_20 = arith.constant 2048 : index
    %get3A_21 = arith.constant 0 : index
    %get3A_22 = vector.load %arg4[%get3A_20, %get3A_21] : memref<8192x64xf32, #tpu.memory_space<vmem>>, vector<2048x64xf32>
    %dot_general3A_23 = arith.constant dense<0.000000e+00> : vector<256x2048xf32>
    %dot_general3A_24 = tpu.matmul %slice3A, %get3A_22, %dot_general3A_23 {dimension_numbers = #tpu.dot_dimension_numbers<[1], [1], [0], [0], [0, 0, 1, 0], [], []>, transpose_lhs_hint = false} : vector<256x64xf32>, vector<2048x64xf32>, vector<256x2048xf32> -> vector<256x2048xf32>
    %get3A_25 = arith.constant 0 : index
    %get3A_26 = arith.constant 2048 : index
    %get3A_27 = vector.load %arg2[%get3A_25, %get3A_26] : memref<1x8192xf32, #tpu.memory_space<vmem>>, vector<1x2048xf32>
    %add3A_28 = vector.broadcast %slice3A_7 : vector<256x1xf32> to vector<256x2048xf32>
    %add3A_29 = vector.broadcast %get3A_27 : vector<1x2048xf32> to vector<256x2048xf32>
    %add3A_30 = arith.addf %add3A_28, %add3A_29 : vector<256x2048xf32>
    %sub3A_31 = arith.subf %add3A_30, %dot_general3A_24 : vector<256x2048xf32>
    %max3A_32 = arith.constant 1.17549435E-38 : f32
    %max3A_33 = vector.broadcast %max3A_32 : f32 to vector<256x2048xf32>
    %max3A_34 = arith.maximumf %sub3A_31, %max3A_33 : vector<256x2048xf32>
    %rsqrt3A_35 = math.rsqrt %max3A_34 : vector<256x2048xf32>
    %mul3A_36 = arith.mulf %max3A_34, %rsqrt3A_35 : vector<256x2048xf32>
    %reduce_min3A_37 = arith.constant dense<0x7F800000> : vector<256xf32>
    %reduce_min3A_38 = vector.multi_reduction <minimumf>, %mul3A_36, %reduce_min3A_37 [1] : vector<256x2048xf32> to vector<256xf32>
    %broadcast_in_dim3A_39 = vector.shape_cast %reduce_min3A_38 : vector<256xf32> to vector<256x1xf32>
    %get3A_40 = arith.constant 4096 : index
    %get3A_41 = arith.constant 0 : index
    %get3A_42 = vector.load %arg4[%get3A_40, %get3A_41] : memref<8192x64xf32, #tpu.memory_space<vmem>>, vector<2048x64xf32>
    %dot_general3A_43 = arith.constant dense<0.000000e+00> : vector<256x2048xf32>
    %dot_general3A_44 = tpu.matmul %slice3A, %get3A_42, %dot_general3A_43 {dimension_numbers = #tpu.dot_dimension_numbers<[1], [1], [0], [0], [0, 0, 1, 0], [], []>, transpose_lhs_hint = false} : vector<256x64xf32>, vector<2048x64xf32>, vector<256x2048xf32> -> vector<256x2048xf32>
    %get3A_45 = arith.constant 0 : index
    %get3A_46 = arith.constant 4096 : index
    %get3A_47 = vector.load %arg2[%get3A_45, %get3A_46] : memref<1x8192xf32, #tpu.memory_space<vmem>>, vector<1x2048xf32>
    %add3A_48 = vector.broadcast %slice3A_7 : vector<256x1xf32> to vector<256x2048xf32>
    %add3A_49 = vector.broadcast %get3A_47 : vector<1x2048xf32> to vector<256x2048xf32>
    %add3A_50 = arith.addf %add3A_48, %add3A_49 : vector<256x2048xf32>
    %sub3A_51 = arith.subf %add3A_50, %dot_general3A_44 : vector<256x2048xf32>
    %max3A_52 = arith.constant 1.17549435E-38 : f32
    %max3A_53 = vector.broadcast %max3A_52 : f32 to vector<256x2048xf32>
    %max3A_54 = arith.maximumf %sub3A_51, %max3A_53 : vector<256x2048xf32>
    %rsqrt3A_55 = math.rsqrt %max3A_54 : vector<256x2048xf32>
    %mul3A_56 = arith.mulf %max3A_54, %rsqrt3A_55 : vector<256x2048xf32>
    %reduce_min3A_57 = arith.constant dense<0x7F800000> : vector<256xf32>
    %reduce_min3A_58 = vector.multi_reduction <minimumf>, %mul3A_56, %reduce_min3A_57 [1] : vector<256x2048xf32> to vector<256xf32>
    %broadcast_in_dim3A_59 = vector.shape_cast %reduce_min3A_58 : vector<256xf32> to vector<256x1xf32>
    %get3A_60 = arith.constant 6144 : index
    %get3A_61 = arith.constant 0 : index
    %get3A_62 = vector.load %arg4[%get3A_60, %get3A_61] : memref<8192x64xf32, #tpu.memory_space<vmem>>, vector<2048x64xf32>
    %dot_general3A_63 = arith.constant dense<0.000000e+00> : vector<256x2048xf32>
    %dot_general3A_64 = tpu.matmul %slice3A, %get3A_62, %dot_general3A_63 {dimension_numbers = #tpu.dot_dimension_numbers<[1], [1], [0], [0], [0, 0, 1, 0], [], []>, transpose_lhs_hint = false} : vector<256x64xf32>, vector<2048x64xf32>, vector<256x2048xf32> -> vector<256x2048xf32>
    %get3A_65 = arith.constant 0 : index
    %get3A_66 = arith.constant 6144 : index
    %get3A_67 = vector.load %arg2[%get3A_65, %get3A_66] : memref<1x8192xf32, #tpu.memory_space<vmem>>, vector<1x2048xf32>
    %add3A_68 = vector.broadcast %slice3A_7 : vector<256x1xf32> to vector<256x2048xf32>
    %add3A_69 = vector.broadcast %get3A_67 : vector<1x2048xf32> to vector<256x2048xf32>
    %add3A_70 = arith.addf %add3A_68, %add3A_69 : vector<256x2048xf32>
    %sub3A_71 = arith.subf %add3A_70, %dot_general3A_64 : vector<256x2048xf32>
    %max3A_72 = arith.constant 1.17549435E-38 : f32
    %max3A_73 = vector.broadcast %max3A_72 : f32 to vector<256x2048xf32>
    %max3A_74 = arith.maximumf %sub3A_71, %max3A_73 : vector<256x2048xf32>
    %rsqrt3A_75 = math.rsqrt %max3A_74 : vector<256x2048xf32>
    %mul3A_76 = arith.mulf %max3A_74, %rsqrt3A_75 : vector<256x2048xf32>
    %reduce_min3A_77 = arith.constant dense<0x7F800000> : vector<256xf32>
    %reduce_min3A_78 = vector.multi_reduction <minimumf>, %mul3A_76, %reduce_min3A_77 [1] : vector<256x2048xf32> to vector<256xf32>
    %broadcast_in_dim3A_79 = vector.shape_cast %reduce_min3A_78 : vector<256xf32> to vector<256x1xf32>
    %min3A = arith.minimumf %broadcast_in_dim3A, %broadcast_in_dim3A_39 : vector<256x1xf32>
    %min3A_80 = arith.minimumf %broadcast_in_dim3A_59, %broadcast_in_dim3A_79 : vector<256x1xf32>
    %min3A_81 = arith.minimumf %min3A, %min3A_80 : vector<256x1xf32>
    %slice3A_82 = vector.extract_strided_slice %get3A_3 {offsets = [256, 0], sizes = [256, 64], strides = [1, 1]} : vector<512x64xf32> to vector<256x64xf32>
    %slice3A_83 = vector.extract_strided_slice %get3A_6 {offsets = [256, 0], sizes = [256, 1], strides = [1, 1]} : vector<512x1xf32> to vector<256x1xf32>
    %get3A_84 = arith.constant 0 : index
    %get3A_85 = arith.constant 0 : index
    %get3A_86 = vector.load %arg4[%get3A_84, %get3A_85] : memref<8192x64xf32, #tpu.memory_space<vmem>>, vector<2048x64xf32>
    %dot_general3A_87 = arith.constant dense<0.000000e+00> : vector<256x2048xf32>
    %dot_general3A_88 = tpu.matmul %slice3A_82, %get3A_86, %dot_general3A_87 {dimension_numbers = #tpu.dot_dimension_numbers<[1], [1], [0], [0], [0, 0, 1, 0], [], []>, transpose_lhs_hint = false} : vector<256x64xf32>, vector<2048x64xf32>, vector<256x2048xf32> -> vector<256x2048xf32>
    %get3A_89 = arith.constant 0 : index
    %get3A_90 = arith.constant 0 : index
    %get3A_91 = vector.load %arg2[%get3A_89, %get3A_90] : memref<1x8192xf32, #tpu.memory_space<vmem>>, vector<1x2048xf32>
    %add3A_92 = vector.broadcast %slice3A_83 : vector<256x1xf32> to vector<256x2048xf32>
    %add3A_93 = vector.broadcast %get3A_91 : vector<1x2048xf32> to vector<256x2048xf32>
    %add3A_94 = arith.addf %add3A_92, %add3A_93 : vector<256x2048xf32>
    %sub3A_95 = arith.subf %add3A_94, %dot_general3A_88 : vector<256x2048xf32>
    %max3A_96 = arith.constant 1.17549435E-38 : f32
    %max3A_97 = vector.broadcast %max3A_96 : f32 to vector<256x2048xf32>
    %max3A_98 = arith.maximumf %sub3A_95, %max3A_97 : vector<256x2048xf32>
    %rsqrt3A_99 = math.rsqrt %max3A_98 : vector<256x2048xf32>
    %mul3A_100 = arith.mulf %max3A_98, %rsqrt3A_99 : vector<256x2048xf32>
    %reduce_min3A_101 = arith.constant dense<0x7F800000> : vector<256xf32>
    %reduce_min3A_102 = vector.multi_reduction <minimumf>, %mul3A_100, %reduce_min3A_101 [1] : vector<256x2048xf32> to vector<256xf32>
    %broadcast_in_dim3A_103 = vector.shape_cast %reduce_min3A_102 : vector<256xf32> to vector<256x1xf32>
    %get3A_104 = arith.constant 2048 : index
    %get3A_105 = arith.constant 0 : index
    %get3A_106 = vector.load %arg4[%get3A_104, %get3A_105] : memref<8192x64xf32, #tpu.memory_space<vmem>>, vector<2048x64xf32>
    %dot_general3A_107 = arith.constant dense<0.000000e+00> : vector<256x2048xf32>
    %dot_general3A_108 = tpu.matmul %slice3A_82, %get3A_106, %dot_general3A_107 {dimension_numbers = #tpu.dot_dimension_numbers<[1], [1], [0], [0], [0, 0, 1, 0], [], []>, transpose_lhs_hint = false} : vector<256x64xf32>, vector<2048x64xf32>, vector<256x2048xf32> -> vector<256x2048xf32>
    %get3A_109 = arith.constant 0 : index
    %get3A_110 = arith.constant 2048 : index
    %get3A_111 = vector.load %arg2[%get3A_109, %get3A_110] : memref<1x8192xf32, #tpu.memory_space<vmem>>, vector<1x2048xf32>
    %add3A_112 = vector.broadcast %slice3A_83 : vector<256x1xf32> to vector<256x2048xf32>
    %add3A_113 = vector.broadcast %get3A_111 : vector<1x2048xf32> to vector<256x2048xf32>
    %add3A_114 = arith.addf %add3A_112, %add3A_113 : vector<256x2048xf32>
    %sub3A_115 = arith.subf %add3A_114, %dot_general3A_108 : vector<256x2048xf32>
    %max3A_116 = arith.constant 1.17549435E-38 : f32
    %max3A_117 = vector.broadcast %max3A_116 : f32 to vector<256x2048xf32>
    %max3A_118 = arith.maximumf %sub3A_115, %max3A_117 : vector<256x2048xf32>
    %rsqrt3A_119 = math.rsqrt %max3A_118 : vector<256x2048xf32>
    %mul3A_120 = arith.mulf %max3A_118, %rsqrt3A_119 : vector<256x2048xf32>
    %reduce_min3A_121 = arith.constant dense<0x7F800000> : vector<256xf32>
    %reduce_min3A_122 = vector.multi_reduction <minimumf>, %mul3A_120, %reduce_min3A_121 [1] : vector<256x2048xf32> to vector<256xf32>
    %broadcast_in_dim3A_123 = vector.shape_cast %reduce_min3A_122 : vector<256xf32> to vector<256x1xf32>
    %get3A_124 = arith.constant 4096 : index
    %get3A_125 = arith.constant 0 : index
    %get3A_126 = vector.load %arg4[%get3A_124, %get3A_125] : memref<8192x64xf32, #tpu.memory_space<vmem>>, vector<2048x64xf32>
    %dot_general3A_127 = arith.constant dense<0.000000e+00> : vector<256x2048xf32>
    %dot_general3A_128 = tpu.matmul %slice3A_82, %get3A_126, %dot_general3A_127 {dimension_numbers = #tpu.dot_dimension_numbers<[1], [1], [0], [0], [0, 0, 1, 0], [], []>, transpose_lhs_hint = false} : vector<256x64xf32>, vector<2048x64xf32>, vector<256x2048xf32> -> vector<256x2048xf32>
    %get3A_129 = arith.constant 0 : index
    %get3A_130 = arith.constant 4096 : index
    %get3A_131 = vector.load %arg2[%get3A_129, %get3A_130] : memref<1x8192xf32, #tpu.memory_space<vmem>>, vector<1x2048xf32>
    %add3A_132 = vector.broadcast %slice3A_83 : vector<256x1xf32> to vector<256x2048xf32>
    %add3A_133 = vector.broadcast %get3A_131 : vector<1x2048xf32> to vector<256x2048xf32>
    %add3A_134 = arith.addf %add3A_132, %add3A_133 : vector<256x2048xf32>
    %sub3A_135 = arith.subf %add3A_134, %dot_general3A_128 : vector<256x2048xf32>
    %max3A_136 = arith.constant 1.17549435E-38 : f32
    %max3A_137 = vector.broadcast %max3A_136 : f32 to vector<256x2048xf32>
    %max3A_138 = arith.maximumf %sub3A_135, %max3A_137 : vector<256x2048xf32>
    %rsqrt3A_139 = math.rsqrt %max3A_138 : vector<256x2048xf32>
    %mul3A_140 = arith.mulf %max3A_138, %rsqrt3A_139 : vector<256x2048xf32>
    %reduce_min3A_141 = arith.constant dense<0x7F800000> : vector<256xf32>
    %reduce_min3A_142 = vector.multi_reduction <minimumf>, %mul3A_140, %reduce_min3A_141 [1] : vector<256x2048xf32> to vector<256xf32>
    %broadcast_in_dim3A_143 = vector.shape_cast %reduce_min3A_142 : vector<256xf32> to vector<256x1xf32>
    %get3A_144 = arith.constant 6144 : index
    %get3A_145 = arith.constant 0 : index
    %get3A_146 = vector.load %arg4[%get3A_144, %get3A_145] : memref<8192x64xf32, #tpu.memory_space<vmem>>, vector<2048x64xf32>
    %dot_general3A_147 = arith.constant dense<0.000000e+00> : vector<256x2048xf32>
    %dot_general3A_148 = tpu.matmul %slice3A_82, %get3A_146, %dot_general3A_147 {dimension_numbers = #tpu.dot_dimension_numbers<[1], [1], [0], [0], [0, 0, 1, 0], [], []>, transpose_lhs_hint = false} : vector<256x64xf32>, vector<2048x64xf32>, vector<256x2048xf32> -> vector<256x2048xf32>
    %get3A_149 = arith.constant 0 : index
    %get3A_150 = arith.constant 6144 : index
    %get3A_151 = vector.load %arg2[%get3A_149, %get3A_150] : memref<1x8192xf32, #tpu.memory_space<vmem>>, vector<1x2048xf32>
    %add3A_152 = vector.broadcast %slice3A_83 : vector<256x1xf32> to vector<256x2048xf32>
    %add3A_153 = vector.broadcast %get3A_151 : vector<1x2048xf32> to vector<256x2048xf32>
    %add3A_154 = arith.addf %add3A_152, %add3A_153 : vector<256x2048xf32>
    %sub3A_155 = arith.subf %add3A_154, %dot_general3A_148 : vector<256x2048xf32>
    %max3A_156 = arith.constant 1.17549435E-38 : f32
    %max3A_157 = vector.broadcast %max3A_156 : f32 to vector<256x2048xf32>
    %max3A_158 = arith.maximumf %sub3A_155, %max3A_157 : vector<256x2048xf32>
    %rsqrt3A_159 = math.rsqrt %max3A_158 : vector<256x2048xf32>
    %mul3A_160 = arith.mulf %max3A_158, %rsqrt3A_159 : vector<256x2048xf32>
    %reduce_min3A_161 = arith.constant dense<0x7F800000> : vector<256xf32>
    %reduce_min3A_162 = vector.multi_reduction <minimumf>, %mul3A_160, %reduce_min3A_161 [1] : vector<256x2048xf32> to vector<256xf32>
    %broadcast_in_dim3A_163 = vector.shape_cast %reduce_min3A_162 : vector<256xf32> to vector<256x1xf32>
    %min3A_164 = arith.minimumf %broadcast_in_dim3A_103, %broadcast_in_dim3A_123 : vector<256x1xf32>
    %min3A_165 = arith.minimumf %broadcast_in_dim3A_143, %broadcast_in_dim3A_163 : vector<256x1xf32>
    %min3A_166 = arith.minimumf %min3A_164, %min3A_165 : vector<256x1xf32>
    %broadcast_in_dim3A_167 = arith.constant 8.192000e+03 : f32
    %broadcast_in_dim3A_168 = vector.broadcast %broadcast_in_dim3A_167 : f32 to vector<256x1xf32>
    %iota3A = tpu.iota {dimensions = array<i32: 1>} : vector<1x2048xi32>
    %convert_element_type3A_169 = arith.sitofp %iota3A : vector<1x2048xi32> to vector<1x2048xf32>
    %eq3A_170 = vector.broadcast %min3A_81 : vector<256x1xf32> to vector<256x2048xf32>
    %eq3A_171 = arith.cmpf oeq, %mul3A, %eq3A_170 : vector<256x2048xf32>
    %jit3A = arith.constant 8.192000e+03 : f32
    %broadcast_in_dim3A_172 = vector.shape_cast %convert_element_type3A_169 : vector<1x2048xf32> to vector<1x2048xf32>
    %broadcast_in_dim3A_173 = vector.broadcast %broadcast_in_dim3A_172 : vector<1x2048xf32> to vector<256x2048xf32>
    %broadcast_in_dim3A_174 = vector.broadcast %jit3A : f32 to vector<256x2048xf32>
    %select_n3A = arith.select %eq3A_171, %broadcast_in_dim3A_173, %broadcast_in_dim3A_174 : vector<256x2048xi1>, vector<256x2048xf32>
    %reduce_min3A_175 = arith.constant dense<0x7F800000> : vector<256xf32>
    %reduce_min3A_176 = vector.multi_reduction <minimumf>, %select_n3A, %reduce_min3A_175 [1] : vector<256x2048xf32> to vector<256xf32>
    %broadcast_in_dim3A_177 = vector.shape_cast %reduce_min3A_176 : vector<256xf32> to vector<256x1xf32>
    %add3A_178 = arith.constant 0.000000e+00 : f32
    %add3A_179 = vector.broadcast %add3A_178 : f32 to vector<256x1xf32>
    %add3A_180 = arith.addf %broadcast_in_dim3A_177, %add3A_179 : vector<256x1xf32>
    %min3A_181 = arith.minimumf %broadcast_in_dim3A_168, %add3A_180 : vector<256x1xf32>
    %iota3A_182 = tpu.iota {dimensions = array<i32: 1>} : vector<1x2048xi32>
    %convert_element_type3A_183 = arith.sitofp %iota3A_182 : vector<1x2048xi32> to vector<1x2048xf32>
    %eq3A_184 = vector.broadcast %min3A_81 : vector<256x1xf32> to vector<256x2048xf32>
    %eq3A_185 = arith.cmpf oeq, %mul3A_36, %eq3A_184 : vector<256x2048xf32>
    %jit3A_186 = arith.constant 8.192000e+03 : f32
    %broadcast_in_dim3A_187 = vector.shape_cast %convert_element_type3A_183 : vector<1x2048xf32> to vector<1x2048xf32>
    %broadcast_in_dim3A_188 = vector.broadcast %broadcast_in_dim3A_187 : vector<1x2048xf32> to vector<256x2048xf32>
    %broadcast_in_dim3A_189 = vector.broadcast %jit3A_186 : f32 to vector<256x2048xf32>
    %select_n3A_190 = arith.select %eq3A_185, %broadcast_in_dim3A_188, %broadcast_in_dim3A_189 : vector<256x2048xi1>, vector<256x2048xf32>
    %reduce_min3A_191 = arith.constant dense<0x7F800000> : vector<256xf32>
    %reduce_min3A_192 = vector.multi_reduction <minimumf>, %select_n3A_190, %reduce_min3A_191 [1] : vector<256x2048xf32> to vector<256xf32>
    %broadcast_in_dim3A_193 = vector.shape_cast %reduce_min3A_192 : vector<256xf32> to vector<256x1xf32>
    %add3A_194 = arith.constant 2.048000e+03 : f32
    %add3A_195 = vector.broadcast %add3A_194 : f32 to vector<256x1xf32>
    %add3A_196 = arith.addf %broadcast_in_dim3A_193, %add3A_195 : vector<256x1xf32>
    %min3A_197 = arith.minimumf %min3A_181, %add3A_196 : vector<256x1xf32>
    %iota3A_198 = tpu.iota {dimensions = array<i32: 1>} : vector<1x2048xi32>
    %convert_element_type3A_199 = arith.sitofp %iota3A_198 : vector<1x2048xi32> to vector<1x2048xf32>
    %eq3A_200 = vector.broadcast %min3A_81 : vector<256x1xf32> to vector<256x2048xf32>
    %eq3A_201 = arith.cmpf oeq, %mul3A_56, %eq3A_200 : vector<256x2048xf32>
    %jit3A_202 = arith.constant 8.192000e+03 : f32
    %broadcast_in_dim3A_203 = vector.shape_cast %convert_element_type3A_199 : vector<1x2048xf32> to vector<1x2048xf32>
    %broadcast_in_dim3A_204 = vector.broadcast %broadcast_in_dim3A_203 : vector<1x2048xf32> to vector<256x2048xf32>
    %broadcast_in_dim3A_205 = vector.broadcast %jit3A_202 : f32 to vector<256x2048xf32>
    %select_n3A_206 = arith.select %eq3A_201, %broadcast_in_dim3A_204, %broadcast_in_dim3A_205 : vector<256x2048xi1>, vector<256x2048xf32>
    %reduce_min3A_207 = arith.constant dense<0x7F800000> : vector<256xf32>
    %reduce_min3A_208 = vector.multi_reduction <minimumf>, %select_n3A_206, %reduce_min3A_207 [1] : vector<256x2048xf32> to vector<256xf32>
    %broadcast_in_dim3A_209 = vector.shape_cast %reduce_min3A_208 : vector<256xf32> to vector<256x1xf32>
    %add3A_210 = arith.constant 4.096000e+03 : f32
    %add3A_211 = vector.broadcast %add3A_210 : f32 to vector<256x1xf32>
    %add3A_212 = arith.addf %broadcast_in_dim3A_209, %add3A_211 : vector<256x1xf32>
    %min3A_213 = arith.minimumf %min3A_197, %add3A_212 : vector<256x1xf32>
    %iota3A_214 = tpu.iota {dimensions = array<i32: 1>} : vector<1x2048xi32>
    %convert_element_type3A_215 = arith.sitofp %iota3A_214 : vector<1x2048xi32> to vector<1x2048xf32>
    %eq3A_216 = vector.broadcast %min3A_81 : vector<256x1xf32> to vector<256x2048xf32>
    %eq3A_217 = arith.cmpf oeq, %mul3A_76, %eq3A_216 : vector<256x2048xf32>
    %jit3A_218 = arith.constant 8.192000e+03 : f32
    %broadcast_in_dim3A_219 = vector.shape_cast %convert_element_type3A_215 : vector<1x2048xf32> to vector<1x2048xf32>
    %broadcast_in_dim3A_220 = vector.broadcast %broadcast_in_dim3A_219 : vector<1x2048xf32> to vector<256x2048xf32>
    %broadcast_in_dim3A_221 = vector.broadcast %jit3A_218 : f32 to vector<256x2048xf32>
    %select_n3A_222 = arith.select %eq3A_217, %broadcast_in_dim3A_220, %broadcast_in_dim3A_221 : vector<256x2048xi1>, vector<256x2048xf32>
    %reduce_min3A_223 = arith.constant dense<0x7F800000> : vector<256xf32>
    %reduce_min3A_224 = vector.multi_reduction <minimumf>, %select_n3A_222, %reduce_min3A_223 [1] : vector<256x2048xf32> to vector<256xf32>
    %broadcast_in_dim3A_225 = vector.shape_cast %reduce_min3A_224 : vector<256xf32> to vector<256x1xf32>
    %add3A_226 = arith.constant 6.144000e+03 : f32
    %add3A_227 = vector.broadcast %add3A_226 : f32 to vector<256x1xf32>
    %add3A_228 = arith.addf %broadcast_in_dim3A_225, %add3A_227 : vector<256x1xf32>
    %min3A_229 = arith.minimumf %min3A_213, %add3A_228 : vector<256x1xf32>
    %mul3A_230 = arith.mulf %min3A_81, %min3A_81 : vector<256x1xf32>
    %reduce_sum3A = vector.shape_cast %mul3A_230 : vector<256x1xf32> to vector<1x256x1xf32>
    %reduce_sum3A_231 = arith.constant dense<0.000000e+00> : vector<1xf32>
    %reduce_sum3A_232 = vector.multi_reduction <add>, %reduce_sum3A, %reduce_sum3A_231 [1, 2] : vector<1x256x1xf32> to vector<1xf32>
    %reduce_sum3A_233 = vector.shape_cast %reduce_sum3A_232 : vector<1xf32> to vector<1x1x1xf32>
    %reduce_sum3A_234 = vector.extract %reduce_sum3A_233[0, 0, 0] : f32 from vector<1x1x1xf32>
    %broadcast_in_dim3A_235 = arith.constant 8.192000e+03 : f32
    %broadcast_in_dim3A_236 = vector.broadcast %broadcast_in_dim3A_235 : f32 to vector<256x1xf32>
    %iota3A_237 = tpu.iota {dimensions = array<i32: 1>} : vector<1x2048xi32>
    %convert_element_type3A_238 = arith.sitofp %iota3A_237 : vector<1x2048xi32> to vector<1x2048xf32>
    %eq3A_239 = vector.broadcast %min3A_166 : vector<256x1xf32> to vector<256x2048xf32>
    %eq3A_240 = arith.cmpf oeq, %mul3A_100, %eq3A_239 : vector<256x2048xf32>
    %jit3A_241 = arith.constant 8.192000e+03 : f32
    %broadcast_in_dim3A_242 = vector.shape_cast %convert_element_type3A_238 : vector<1x2048xf32> to vector<1x2048xf32>
    %broadcast_in_dim3A_243 = vector.broadcast %broadcast_in_dim3A_242 : vector<1x2048xf32> to vector<256x2048xf32>
    %broadcast_in_dim3A_244 = vector.broadcast %jit3A_241 : f32 to vector<256x2048xf32>
    %select_n3A_245 = arith.select %eq3A_240, %broadcast_in_dim3A_243, %broadcast_in_dim3A_244 : vector<256x2048xi1>, vector<256x2048xf32>
    %reduce_min3A_246 = arith.constant dense<0x7F800000> : vector<256xf32>
    %reduce_min3A_247 = vector.multi_reduction <minimumf>, %select_n3A_245, %reduce_min3A_246 [1] : vector<256x2048xf32> to vector<256xf32>
    %broadcast_in_dim3A_248 = vector.shape_cast %reduce_min3A_247 : vector<256xf32> to vector<256x1xf32>
    %add3A_249 = arith.constant 0.000000e+00 : f32
    %add3A_250 = vector.broadcast %add3A_249 : f32 to vector<256x1xf32>
    %add3A_251 = arith.addf %broadcast_in_dim3A_248, %add3A_250 : vector<256x1xf32>
    %min3A_252 = arith.minimumf %broadcast_in_dim3A_236, %add3A_251 : vector<256x1xf32>
    %iota3A_253 = tpu.iota {dimensions = array<i32: 1>} : vector<1x2048xi32>
    %convert_element_type3A_254 = arith.sitofp %iota3A_253 : vector<1x2048xi32> to vector<1x2048xf32>
    %eq3A_255 = vector.broadcast %min3A_166 : vector<256x1xf32> to vector<256x2048xf32>
    %eq3A_256 = arith.cmpf oeq, %mul3A_120, %eq3A_255 : vector<256x2048xf32>
    %jit3A_257 = arith.constant 8.192000e+03 : f32
    %broadcast_in_dim3A_258 = vector.shape_cast %convert_element_type3A_254 : vector<1x2048xf32> to vector<1x2048xf32>
    %broadcast_in_dim3A_259 = vector.broadcast %broadcast_in_dim3A_258 : vector<1x2048xf32> to vector<256x2048xf32>
    %broadcast_in_dim3A_260 = vector.broadcast %jit3A_257 : f32 to vector<256x2048xf32>
    %select_n3A_261 = arith.select %eq3A_256, %broadcast_in_dim3A_259, %broadcast_in_dim3A_260 : vector<256x2048xi1>, vector<256x2048xf32>
    %reduce_min3A_262 = arith.constant dense<0x7F800000> : vector<256xf32>
    %reduce_min3A_263 = vector.multi_reduction <minimumf>, %select_n3A_261, %reduce_min3A_262 [1] : vector<256x2048xf32> to vector<256xf32>
    %broadcast_in_dim3A_264 = vector.shape_cast %reduce_min3A_263 : vector<256xf32> to vector<256x1xf32>
    %add3A_265 = arith.constant 2.048000e+03 : f32
    %add3A_266 = vector.broadcast %add3A_265 : f32 to vector<256x1xf32>
    %add3A_267 = arith.addf %broadcast_in_dim3A_264, %add3A_266 : vector<256x1xf32>
    %min3A_268 = arith.minimumf %min3A_252, %add3A_267 : vector<256x1xf32>
    %iota3A_269 = tpu.iota {dimensions = array<i32: 1>} : vector<1x2048xi32>
    %convert_element_type3A_270 = arith.sitofp %iota3A_269 : vector<1x2048xi32> to vector<1x2048xf32>
    %eq3A_271 = vector.broadcast %min3A_166 : vector<256x1xf32> to vector<256x2048xf32>
    %eq3A_272 = arith.cmpf oeq, %mul3A_140, %eq3A_271 : vector<256x2048xf32>
    %jit3A_273 = arith.constant 8.192000e+03 : f32
    %broadcast_in_dim3A_274 = vector.shape_cast %convert_element_type3A_270 : vector<1x2048xf32> to vector<1x2048xf32>
    %broadcast_in_dim3A_275 = vector.broadcast %broadcast_in_dim3A_274 : vector<1x2048xf32> to vector<256x2048xf32>
    %broadcast_in_dim3A_276 = vector.broadcast %jit3A_273 : f32 to vector<256x2048xf32>
    %select_n3A_277 = arith.select %eq3A_272, %broadcast_in_dim3A_275, %broadcast_in_dim3A_276 : vector<256x2048xi1>, vector<256x2048xf32>
    %reduce_min3A_278 = arith.constant dense<0x7F800000> : vector<256xf32>
    %reduce_min3A_279 = vector.multi_reduction <minimumf>, %select_n3A_277, %reduce_min3A_278 [1] : vector<256x2048xf32> to vector<256xf32>
    %broadcast_in_dim3A_280 = vector.shape_cast %reduce_min3A_279 : vector<256xf32> to vector<256x1xf32>
    %add3A_281 = arith.constant 4.096000e+03 : f32
    %add3A_282 = vector.broadcast %add3A_281 : f32 to vector<256x1xf32>
    %add3A_283 = arith.addf %broadcast_in_dim3A_280, %add3A_282 : vector<256x1xf32>
    %min3A_284 = arith.minimumf %min3A_268, %add3A_283 : vector<256x1xf32>
    %iota3A_285 = tpu.iota {dimensions = array<i32: 1>} : vector<1x2048xi32>
    %convert_element_type3A_286 = arith.sitofp %iota3A_285 : vector<1x2048xi32> to vector<1x2048xf32>
    %eq3A_287 = vector.broadcast %min3A_166 : vector<256x1xf32> to vector<256x2048xf32>
    %eq3A_288 = arith.cmpf oeq, %mul3A_160, %eq3A_287 : vector<256x2048xf32>
    %jit3A_289 = arith.constant 8.192000e+03 : f32
    %broadcast_in_dim3A_290 = vector.shape_cast %convert_element_type3A_286 : vector<1x2048xf32> to vector<1x2048xf32>
    %broadcast_in_dim3A_291 = vector.broadcast %broadcast_in_dim3A_290 : vector<1x2048xf32> to vector<256x2048xf32>
    %broadcast_in_dim3A_292 = vector.broadcast %jit3A_289 : f32 to vector<256x2048xf32>
    %select_n3A_293 = arith.select %eq3A_288, %broadcast_in_dim3A_291, %broadcast_in_dim3A_292 : vector<256x2048xi1>, vector<256x2048xf32>
    %reduce_min3A_294 = arith.constant dense<0x7F800000> : vector<256xf32>
    %reduce_min3A_295 = vector.multi_reduction <minimumf>, %select_n3A_293, %reduce_min3A_294 [1] : vector<256x2048xf32> to vector<256xf32>
    %broadcast_in_dim3A_296 = vector.shape_cast %reduce_min3A_295 : vector<256xf32> to vector<256x1xf32>
    %add3A_297 = arith.constant 6.144000e+03 : f32
    %add3A_298 = vector.broadcast %add3A_297 : f32 to vector<256x1xf32>
    %add3A_299 = arith.addf %broadcast_in_dim3A_296, %add3A_298 : vector<256x1xf32>
    %min3A_300 = arith.minimumf %min3A_284, %add3A_299 : vector<256x1xf32>
    %mul3A_301 = arith.mulf %min3A_166, %min3A_166 : vector<256x1xf32>
    %reduce_sum3A_302 = vector.shape_cast %mul3A_301 : vector<256x1xf32> to vector<1x256x1xf32>
    %reduce_sum3A_303 = arith.constant dense<0.000000e+00> : vector<1xf32>
    %reduce_sum3A_304 = vector.multi_reduction <add>, %reduce_sum3A_302, %reduce_sum3A_303 [1, 2] : vector<1x256x1xf32> to vector<1xf32>
    %reduce_sum3A_305 = vector.shape_cast %reduce_sum3A_304 : vector<1xf32> to vector<1x1x1xf32>
    %reduce_sum3A_306 = vector.extract %reduce_sum3A_305[0, 0, 0] : f32 from vector<1x1x1xf32>
    %concatenate3A = tpu.concatenate %min3A_229, %min3A_300 in 0 : vector<256x1xf32>, vector<256x1xf32> -> vector<512x1xf32>
    %transpose3A = tpu.transpose %concatenate3A, [1, 0] : vector<512x1xf32> -> vector<1x512xf32>
    %convert_element_type3A_307 = arith.fptosi %transpose3A : vector<1x512xf32> to vector<1x512xi32>
    %swap3A = arith.constant 0 : index
    %swap3A_308 = arith.constant 0 : index
    %swap3A_309 = vector.load %arg5[%swap3A, %swap3A_308] : memref<1x512xi32, #tpu.memory_space<vmem>>, vector<1x512xi32>
    tpu.vector_store %arg5[%swap3A, %swap3A_308], %convert_element_type3A_307 {strides = array<i32>} : memref<1x512xi32, #tpu.memory_space<vmem>>, vector<1x512xi32>,
    %get3A_310 = arith.constant 0 : index
    %get3A_311 = arith.constant 0 : index
    %get3A_312 = vector.load %arg6[%get3A_310, %get3A_311] : memref<1x1xf32, #tpu.memory_space<vmem>>, vector<1x1xf32>
    %add3A_313 = arith.addf %reduce_sum3A_234, %reduce_sum3A_306 : f32
    %add3A_314 = vector.broadcast %add3A_313 : f32 to vector<1x1xf32>
    %add3A_315 = arith.addf %get3A_312, %add3A_314 : vector<1x1xf32>
    %swap3A_316 = arith.constant 0 : index
    %swap3A_317 = arith.constant 0 : index
    %swap3A_318 = vector.load %arg6[%swap3A_316, %swap3A_317] : memref<1x1xf32, #tpu.memory_space<vmem>>, vector<1x1xf32>
    tpu.vector_store %arg6[%swap3A_316, %swap3A_317], %add3A_315 {strides = array<i32>} : memref<1x1xf32, #tpu.memory_space<vmem>>, vector<1x1xf32>,
    %eq3A_319 = arith.constant 127 : i32
    %eq3A_320 = arith.cmpi eq, %arg0, %eq3A_319 : i32
    %convert_element_type3A_321 = arith.extui %eq3A_320 : i1 to i32
    %cond3A_322 = arith.constant 0 : i32
    %cond3A_323 = arith.cmpi ne, %convert_element_type3A_321, %cond3A_322 : i32
    scf.if %cond3A_323 {
      %get3A_324 = arith.constant 0 : index
      %get3A_325 = arith.constant 0 : index
      %get3A_326 = vector.load %arg6[%get3A_324, %get3A_325] : memref<1x1xf32, #tpu.memory_space<vmem>>, vector<1x1xf32>
      %mul3A_327 = arith.constant 2.38418579E-7 : f32
      %mul3A_328 = vector.broadcast %mul3A_327 : f32 to vector<1x1xf32>
      %mul3A_329 = arith.mulf %get3A_326, %mul3A_328 : vector<1x1xf32>
      %swap3A_330 = arith.constant 0 : index
      %swap3A_331 = arith.constant 0 : index
      %swap3A_332 = vector.load %arg6[%swap3A_330, %swap3A_331] : memref<1x1xf32, #tpu.memory_space<vmem>>, vector<1x1xf32>
      tpu.vector_store %arg6[%swap3A_330, %swap3A_331], %mul3A_329 {strides = array<i32>} : memref<1x1xf32, #tpu.memory_space<vmem>>, vector<1x1xf32>,
    } else {
    }
    return
  }
  func.func @transform_0(%arg0: i32) -> (i32, i32) {
    %c0_i32 = arith.constant 0 : i32
    %c0_i32_0 = arith.constant 0 : i32
    return %arg0, %c0_i32 : i32, i32
  }
  func.func @transform_1(%arg0: i32) -> (i32, i32) {
    %c0_i32 = arith.constant 0 : i32
    %c0_i32_0 = arith.constant 0 : i32
    %c0_i32_1 = arith.constant 0 : i32
    return %c0_i32, %c0_i32_0 : i32, i32
  }
  func.func @transform_2(%arg0: i32) -> (i32, i32) {
    %c0_i32 = arith.constant 0 : i32
    %c0_i32_0 = arith.constant 0 : i32
    return %arg0, %c0_i32 : i32, i32
  }
  func.func @transform_3(%arg0: i32) -> (i32, i32) {
    %c0_i32 = arith.constant 0 : i32
    %c0_i32_0 = arith.constant 0 : i32
    %c0_i32_1 = arith.constant 0 : i32
    return %c0_i32, %c0_i32_0 : i32, i32
  }
  func.func @transform_4(%arg0: i32) -> (i32, i32) {
    %c0_i32 = arith.constant 0 : i32
    %c0_i32_0 = arith.constant 0 : i32
    return %c0_i32, %arg0 : i32, i32
  }
  func.func @transform_5(%arg0: i32) -> (i32, i32) {
    %c0_i32 = arith.constant 0 : i32
    %c0_i32_0 = arith.constant 0 : i32
    %c0_i32_1 = arith.constant 0 : i32
    return %c0_i32, %c0_i32_0 : i32, i32
  }
}

</mosaic_0001>

<sc_bundles>
// kernel: kernel.4.cloned.1.call-start
scs
__scs_entry_jumppad:
0x0: {  	(pc) =	sbr.rel $0x88, $3  }
0x1: {  	(tag) =	ssettag $0x0;
	lr =	simm.s32 $0x1  }
0x2: {  	[smem:$0x3F9F] =	sst lr;
	_ =	strace $0xD0000000  }
0x3: {  	_ = 	snop  }
0x4: {  	_ = 	snop  }
0x5: {  	_ = 	snop  }
0x6: {  	_ = 	snop  }
0x7: {  	_ = 	snop  }
__scs_overlays_trampoline_lowered:
0x8: {  	[smem:$0x3FAE] =	sst s0  }
0x9: {  	[smem:$0x3FAF] =	sst s1  }
0xa: {  	[smem:$0x3FB0] =	sst s2  }
0xb: {  	[smem:$0x3FB1] =	sst s3  }
0xc: {  	[smem:$0x3FB2] =	sst s4  }
0xd: {  	[smem:$0x3FB3] =	sst s5  }
0xe: {  	[smem:$0x3FB4] =	sst s6  }
0xf: {  	[smem:$0x3FB5] =	sst s7  }
0x10: {  	[smem:$0x3FB6] =	sst s8  }
0x11: {  	[smem:$0x3FB7] =	sst s9;
	s0 =	simm.s32 @!p0 $0x0  }
0x12: {  	s1 =	sld [smem:$0x3F9D];
	s0 =	simm.s32 @p0 $0x1  }
0x13: {  	[smem:$0x3FB8] =	sst s0;
	s0 =	simm.s32 @!p1 $0x0  }
0x14: {  	s2 =	sld [smem:$0x3F9C];
	s0 =	simm.s32 @p1 $0x1  }
0x15: {  	[smem:$0x3FB9] =	sst s0;
	s0 =	simm.s32 @!p2 $0x0  }
0x16: {  	s3 =	sld [smem:$0x3FDB];
	s0 =	simm.s32 @p2 $0x1  }
0x17: {  	s4 =	simm.s32 $0x1BF5;
	[smem:$0x3FBB] =	sst s0  }
0x18: {  	s0 =	sld [smem:$0x3F9E];
	_ =	swait.ge [sflag:s4], $0x0  }
0x19: {  	s7 =	sld [smem:$0x3F9F]  }
0x1a: {  	s8 =	sadd.s32 $0xFFFFE003, lr  }
0x1b: {  	s9 =	sadd.s32 $0xFFFFFEF7, lr;
	s5 =	simm.s32 $0xFFFFFFFF;
	p2 =	slt.u32 s8, $0xFFFFF086  }
0x1c: {  	p1 =	slt.u32 s9, $0xF7A;
	s5 =	simm.s32 @!p2 $0x0  }
0x1d: {  	s5 =	simm.s32 @p1 $0x1;
	p0 =	seq.s32 s7, s2  }
0x1e: {  	s7 =	smul.u32 @!p0 $0xF7A, s2;
	p2 =	seq.s32 @!p0 s5, $0x0  }
0x1f: {  	s9 =	smul.u32 $0xF7A, s1;
	s8 =	simm.s32 @!p0 $0x1BF5;
	p2 =	por !p2, p0  }
0x20: {  	[sflag:s8] =	ssyncset.s32 @!p0 $0xFFFFF086;
	s6 =	sadd.s32 @!p0 s3, s7;
	s7 =	simm.s32 @!p0 $0x108  }
0x21: {  	s3 =	sadd.s32 s3, s9;
	s6 =	sadd.s32 @!p0 $0x88, s6;
	s7 =	simm.s32 @p2 $0x1082  }
0x22: {  	[simem:s7], [sflag:s8] =	dma.local @!p0 [hbm:s6], $0xF7A  }
0x23: {  	s9 =	sor.u32 $0xD0000000, s2;
	s6 =	simm.s32 $0x108;
	_ =	swait.ge @!p0 [sflag:s8], $0x0  }
0x24: {  	s3 =	sadd.s32 $0x88, s3;
	s6 =	simm.s32 @!p1 $0x1082;
	[sflag:s4] =	ssyncset.s32 $0xFFFFF086  }
0x25: {  	[simem:s6], [sflag:s4] =	dma.local [hbm:s3], $0xF7A  }
0x26: {  	[smem:$0x3F9F] =	sst s1;
	(tag) =	ssettag s2;
	_ =	strace s9  }
0x27: {  	s1 =	sld [smem:$0x3FAF]  }
0x28: {  	s2 =	sld [smem:$0x3FB0]  }
0x29: {  	s4 =	sld [smem:$0x3FB2]  }
0x2a: {  	p0 =	seq.s32 s5, $0x0;
	s5 =	sld [smem:$0x3FB3]  }
0x2b: {  	s6 =	sld [smem:$0x3FB4]  }
0x2c: {  	s7 =	sld [smem:$0x3FB5]  }
0x2d: {  	s3 =	simm.s32 $0x108;
	s8 =	sld [smem:$0x3FB6]  }
0x2e: {  	s3 =	simm.s32 @!p0 $0x1082;
	s9 =	sld [smem:$0x3FB7]  }
0x2f: {  	lr =	sadd.s32 s0, s3;
	s0 =	sld [smem:$0x3FAE]  }
0x30: {  	s3 =	sld [smem:$0x3FB1]  }
0x31: {  	[smem:$0x3FBA] =	sst s10  }
0x32: {  	s10 =	sld [smem:$0x3FB8];
	_ =	sdelay $0x3  }
0x33: {  	p0 =	seq.s32 s10, $0x1;
	s10 =	sld [smem:$0x3FBA];
	_ =	sdelay $0x3  }
0x34: {  	[smem:$0x3FBA] =	sst s10  }
0x35: {  	s10 =	sld [smem:$0x3FB9];
	_ =	sdelay $0x3  }
0x36: {  	p1 =	seq.s32 s10, $0x1;
	s10 =	sld [smem:$0x3FBA];
	_ =	sdelay $0x3  }
0x37: {  	[smem:$0x3FBA] =	sst s10  }
0x38: {  	s10 =	sld [smem:$0x3FBB]  }
0x39: {  	_ = 	snop;
	(pc) =	sbr.ind lr, $3  }
0x3a: {  	_ = 	snop  }
0x3b: {  	_ = 	snop  }
0x3c: {  	p2 =	seq.s32 s10, $0x1;
	s10 =	sld [smem:$0x3FBA]  }
0x3d: {  	_ =	shalt  }
0x3e: {  	_ =	shalt  }
0x3f: {  	_ =	shalt  }
0x40: {  	_ =	shalt  }
0x41: {  	_ =	shalt  }
0x42: {  	_ =	shalt  }
0x43: {  	_ =	shalt  }
0x44: {  	_ =	shalt  }
0x45: {  	_ =	shalt  }
0x46: {  	_ =	shalt  }
0x47: {  	_ =	shalt  }
0x48: {  	_ =	shalt  }
0x49: {  	_ =	shalt  }
0x4a: {  	_ =	shalt  }
0x4b: {  	_ =	shalt  }
0x4c: {  	_ =	shalt  }
0x4d: {  	_ =	shalt  }
0x4e: {  	_ =	shalt  }
0x4f: {  	_ =	shalt  }
0x50: {  	_ =	shalt  }
0x51: {  	_ =	shalt  }
0x52: {  	_ =	shalt  }
0x53: {  	_ =	shalt  }
0x54: {  	_ =	shalt  }
0x55: {  	_ =	shalt  }
0x56: {  	_ =	shalt  }
0x57: {  	_ =	shalt  }
0x58: {  	_ =	shalt  }
0x59: {  	_ =	shalt  }
0x5a: {  	_ =	shalt  }
0x5b: {  	_ =	shalt  }
0x5c: {  	_ =	shalt  }
0x5d: {  	_ =	shalt  }
0x5e: {  	_ =	shalt  }
0x5f: {  	_ =	shalt  }
0x60: {  	_ =	shalt  }
0x61: {  	_ =	shalt  }
0x62: {  	_ =	shalt  }
0x63: {  	_ =	shalt  }
0x64: {  	_ =	shalt  }
0x65: {  	_ =	shalt  }
0x66: {  	_ =	shalt  }
0x67: {  	_ =	shalt  }
0x68: {  	_ =	shalt  }
0x69: {  	_ =	shalt  }
0x6a: {  	_ =	shalt  }
0x6b: {  	_ =	shalt  }
0x6c: {  	_ =	shalt  }
0x6d: {  	_ =	shalt  }
0x6e: {  	_ =	shalt  }
0x6f: {  	_ =	shalt  }
0x70: {  	_ =	shalt  }
0x71: {  	_ =	shalt  }
0x72: {  	_ =	shalt  }
0x73: {  	_ =	shalt  }
0x74: {  	_ =	shalt  }
0x75: {  	_ =	shalt  }
0x76: {  	_ =	shalt  }
0x77: {  	_ =	shalt  }
0x78: {  	_ =	shalt  }
0x79: {  	_ =	shalt  }
0x7a: {  	_ =	shalt  }
0x7b: {  	_ =	shalt  }
0x7c: {  	_ =	shalt  }
0x7d: {  	_ =	shalt  }
0x7e: {  	_ =	shalt  }
0x7f: {  	_ =	shalt  }
0x80: {  	_ =	shalt  }
0x81: {  	_ =	shalt  }
0x82: {  	_ =	shalt  }
0x83: {  	_ =	shalt  }
0x84: {  	_ =	shalt  }
0x85: {  	_ =	shalt  }
0x86: {  	_ =	shalt  }
0x87: {  	_ =	shalt  }
.Lfunc_end0:
.L_simem_size_0:
called_computation_lowered:
.L_overlay_start_0:
0x88: {  	s2 =	sld [smem:$0x3FD9]  }
0x89: {  	s3 =	sld [smem:$0x3FFE];
	_ =	sdelay $0x1  }
0x8a: {  	s1 =	srdreg.scid  }
0x8b: {  	s0 =	sand.u32 $0x1, s1  }
0x8c: {  	s14 =	sshll.u32 s0, $0xA;
	s2 =	sadd.s32 s3, s2  }
0x8d: {  	s2 =	sadd.s32 s2, s14  }
0x8e: {  	[smem:$0x3FC6] =	sst s2  }
0x8f: {  	_ = 	snop  }
0x90: {  	s2 =	sld [smem:$0x3FD0];
	_ =	sdelay $0x2  }
0x91: {  	s15 =	simm.s32 $0xA;
	s4 =	simm.s32 $0x10  }
0x92: {  	[smem:s4], [sflag:s15] =	dma.local [hbm:s2], $0x1  }
0x93: {  	_ =	swait.eq [sflag:s15], $0x1  }
0x94: {  	[sflag:s15] =	ssyncset.done $0x0  }
0x95: {  	s16 =	sld [smem:$0x10];
	[sflag:s15] =	ssyncadd.s32 $0xFFFFFFFF  }
0x96: {  	s17 =	sld [smem:$0x13];
	(tm) =	ssettm $0x1  }
0x97: {  	s18 =	sld [smem:$0x3FFB];
	_ =	sdelay $0x3  }
0x98: {  	_ =	strace s18  }
0x99: {  	s4 =	sld [smem:$0x3FFC];
	_ =	sdelay $0x3  }
0x9a: {  	_ =	strace s4  }
0x9b: {  	s4 =	sld [smem:$0x3FFD];
	_ =	sdelay $0x3  }
0x9c: {  	_ =	strace s4  }
0x9d: {  	_ =	strace $0x8FFFFFFF  }
0x9e: {  	s19 =	sld [smem:$0x3FDB];
	_ =	sdelay $0x1  }
0x9f: {  	s5 =	simm.s32 $_scs_section_size  }
0xa0: {  	s6 =	simm.s32 $_size__tile_overlayer_lowered;
	s7 =	simm.s32 $_tile_overlayer_lowered  }
0xa1: {  	s22 =	simm.s32 $0x1BFF;
	s21 =	sshll.u32 s7, $0x1;
	s4 =	sadd.s32 s5, s19  }
0xa2: {  	s8 =	simm.s32 $0x0;
	s20 =	sshll.u32 s6, $0x1;
	s6 =	sadd.s32 s21, s4  }
0xa3: {  	[timem:s8], [sflag:s22] =	dma.local [hbm:s6], s20  }
0xa4: {  	_ =	swait.ge [sflag:s22], s20  }
0xa5: {  	s5 =	ssub.s32 $0x0, s20;
	[sflag:s22] =	ssyncset.done $0x0  }
0xa6: {  	[sflag:s22] =	ssyncadd.s32 s5;
	_ =	sdelay $0x1  }
0xa7: {  	s23 =	simm.s32 $0x1B8B  }
0xa8: {  	_ =	swait.ge [sflag:s23], $0x1  }
0xa9: {  	[sflag:s23] =	ssyncset.done $0x0  }
0xaa: {  	s25 =	simm.s32 $0x1B8E;
	s24 =	sld [smem:$0x3FFE];
	[sflag:s23] =	ssyncadd.s32 $0xFFFFFFFF  }
0xab: {  	s26 =	simm.s32 $execute0_lowered;
	[smem:$0x3FD2] =	sst s25  }
0xac: {  	s6 =	sshll.u32 s26, $0x1;
	_ =	strace $0x80000046;
	[dreg:$0x1] =	wrdreg $0xFFFFFFFF  }
0xad: {  	s28 =	simm.s32 $_size_execute0_lowered;
	s4 =	sadd.s32 s4, s6;
	[dreg:$0x0] =	wrdreg $0x0  }
0xae: {  	s6 =	sshll.u32 s28, $0x1;
	[dreg:$0x2] =	wrdreg s4  }
0xaf: {  	[dreg:$0x3] =	wrdreg s6  }
0xb0: {  	[dreg:$0x4] =	wrdreg $0xC0  }
0xb1: {  	_ =	task [dreg:s8], $0x5FFFF  }
0xb2: {  	[dreg:$0x1] =	wrdreg $0xFFFFFFFF  }
0xb3: {  	[dreg:$0x0] =	wrdreg $0x60  }
0xb4: {  	[dreg:$0x2] =	wrdreg s16  }
0xb5: {  	[dreg:$0x3] =	wrdreg s17  }
0xb6: {  	[dreg:$0x4] =	wrdreg s24  }
0xb7: {  	[dreg:$0x5] =	wrdreg $0x9  }
0xb8: {  	_ =	task.clear_ibuf [dreg:s8], $0x6FFFF;
	_ =	strace $0x90000046  }
0xb9: {  	s29 =	simm.s32 $0x9;
	_ =	strace $0x80000048  }
0xba: {  	_ =	swait.ge [sflag:s29], $0x1  }
0xbb: {  	[sflag:s29] =	ssyncadd.s32 $0xFFFFFFFF  }
0xbc: {  	_ =	strace $0x90000048  }
0xbd: {  	_ =	sfence  }
0xbe: {  	s30 =	sld [smem:$0x0];
	_ =	sdelay $0x2  }
0xbf: {  	s31 =	sshll.u32 s1, $0xD;
	s1 =	sshrl.u32 s1, $0x2  }
0xc0: {  	s3 =	sand.u32 $0x4000, s31;
	s1 =	sadd.s32 s1, s30  }
0xc1: {  	s0 =	sor.u32 s3, s0;
	s1 =	sshll.u32 s1, $0x11  }
0xc2: {  	s0 =	sor.u32 s1, s0  }
0xc3: {  	s0 =	sadd.s32 $0x8F2B, s0  }
0xc4: {  	[sflag:s0] =	ssyncadd.remote.s32 $0x1  }
0xc5: {  	_ =	sfence.sel $0xFFFF  }
0xc6: {  	[dreg:$0x0] =	wrdreg $0xFFFFFFFF;
	(pc) =	sbr.abs _section_cstart, $3  }
0xc7: {  	[dreg:$0x1] =	wrdreg $0xFFFFFFFF  }
0xc8: {  	_ =	task.clear_ibuf [dreg:s8], $0x2FFFF;
	_ =	strace $0x9FFFFFFF  }
0xc9: {  	(tm) =	ssettm $0x7FFFFFFF  }
tec
execute0_lowered:
.L_overlay_start_1:
0x0: {  	(tag) =	ssettag $0x1  }
0x1: {  	s3 =	rddreg [dreg:$0x0]  }
0x2: {  	s0 =	srdreg.scid;
	s1 =	rddreg [dreg:$0x1]  }
0x3: {  	s17 =	stileid.u32;
	s4 =	rddreg [dreg:$0x2];
	s0 =	sand.u32 $0x1, s0  }
0x4: {  	s2 =	simm.s32 $0x0;
	s5 =	sshll.u32 s17, $0xC;
	s6 =	sshll.u32 s0, $0xB  }
0x5: {  	s26 =	simm.s32 $0x100;
	[smem:$0x7FF] =	sst s2;
	s5 =	sor.u32 s6, s5  }
0x6: {  	_ =	strace $0x80000047;
	s6 =	sshll.u32 s5, $0x4;
	s5 =	sshrl.u32 s5, $0x3  }
0x7: {  	[dreg:$0x15] =	wrdreg s26;
	s4 =	sadd.s32 s6, s4;
	s1 =	sadd.s32 s1, s5  }
0x8: {  	[dreg:$0x4] =	wrdreg s1;
	s8 =	sadd.s32 $0x100200, s4  }
0x9: {  	s31 =	simm.s32 $0x9;
	s9 =	sadd.s32 $0x100A00, s4;
	[dreg:$0x5] =	wrdreg s8  }
0xa: {  	s30 =	simm.s32 $0x200;
	s10 =	sadd.s32 $0x101200, s4;
	[dreg:$0x6] =	wrdreg s9  }
0xb: {  	s7 =	simm.s32 $0x6;
	s11 =	sadd.s32 $0x101A00, s4;
	[dreg:$0x7] =	wrdreg s10  }
0xc: {  	s29 =	simm.s32 $0x280;
	s12 =	sadd.s32 $0x102200, s4;
	[dreg:$0x8] =	wrdreg s11  }
0xd: {  	s28 =	simm.s32 $0x300;
	s13 =	sadd.s32 $0x102A00, s4;
	[dreg:$0x9] =	wrdreg s12  }
0xe: {  	p0 =	por $0x0, $0x0;
	s14 =	sadd.s32 $0x103200, s4;
	[dreg:$0xa] =	wrdreg s13  }
0xf: {  	s0 =	ssub.s32 $0x2, s0;
	s15 =	sadd.s32 $0x103A00, s4;
	[dreg:$0xb] =	wrdreg s14  }
0x10: {  	s26 =	simm.s32 $0x380;
	s16 =	sadd.s32 $0x104200, s4;
	[dreg:$0xc] =	wrdreg s15  }
0x11: {  	s23 =	sshrl.u32 s0, $0x1;
	s18 =	sadd.s32 $0x104A00, s4;
	[dreg:$0xd] =	wrdreg s16  }
0x12: {  	s0 =	ssub.s32 s0, s23;
	s19 =	sadd.s32 $0x105200, s4;
	[dreg:$0xe] =	wrdreg s18  }
0x13: {  	s23 =	simm.s32 $0x500;
	s20 =	sadd.s32 $0x105A00, s4;
	[dreg:$0xf] =	wrdreg s19  }
0x14: {  	s0 =	smax.u32 s0, $0x1;
	s21 =	sadd.s32 $0x106200, s4;
	[dreg:$0x10] =	wrdreg s20  }
0x15: {  	s6 =	simm.s32 $0x5;
	s22 =	sadd.s32 $0x106A00, s4;
	[dreg:$0x11] =	wrdreg s21  }
0x16: {  	s5 =	simm.s32 $0x7;
	s24 =	sadd.s32 $0x107200, s4;
	[dreg:$0x12] =	wrdreg s22  }
0x17: {  	s25 =	sadd.s32 $0x107A00, s4;
	s4 =	simm.s32 $0x8;
	[dreg:$0x13] =	wrdreg s24  }
0x18: {  	p1 =	sne.s32 s0, $0x1;
	s1 =	sadd.s32 $0xFFFFFFFF, s0;
	[dreg:$0x14] =	wrdreg s25  }
0x19: {  	s9 =	simm.s32 $0x80;
	s15 =	simm.s32 $0x800;
	s12 =	simm.s32 $0x4800  }
.Ltmp0:
0x1a: {  	s16 =	simm.s32 $0x1;
	s10 =	simm.s32 $0x8800;
	(pc) =	sbr.rel @!p1 .LBB2_1-.Ltmp0, $4  }
0x1b: {  	s14 =	simm.s32 $0x2;
	s8 =	simm.s32 $0xC800;
	s13 =	simm.s32 $0x3  }
0x1c: {  	s11 =	simm.s32 $0x4;
	s25 =	simm.s32 $0x400;
	s24 =	simm.s32 $0x480  }
0x1d: {  	s22 =	simm.s32 $0x580;
	s21 =	simm.s32 $0x600;
	s20 =	simm.s32 $0x680  }
0x1e: {  	s19 =	simm.s32 $0x700;
	s18 =	simm.s32 $0x780;
	s0 =	rddreg [dreg:$0x4]  }
0x1f: {  	[tilespmem:s2], [sflag:$0x9] =	stream.linear.gather [hbm4b:s0+s2], $0x800, $0x38;
	[tilespmem:$0x10800] =	vst v63  }
0x20: {  	_ =	swait.ge [sflag:s31], $0x800  }
0x21: {  	[sflag:s31] =	ssyncset.done $0x0  }
0x22: {  	[sflag:s31] =	ssyncadd.s32 $0xFFFFF800  }
0x23: {  	[tilespmem:s15], [sflag:$0x1] =	stream.indirect.gather [hbm4b:s3+s9], $0x80, s2, s9, $0xb8;
	[tilespmem:$0x10800] =	vst v63  }
0x24: {  	_ = 	snop  }
0x25: {  	[tilespmem:s12], [sflag:$0x2] =	stream.indirect.gather [hbm4b:s3+s9], $0x80, s9, s9, $0xb8;
	[tilespmem:$0x10800] =	vst v63  }
0x26: {  	_ =	swait.ge [sflag:s16], $0x4000  }
0x27: {  	[sflag:s16] =	ssyncset.done $0x0  }
0x28: {  	s0 =	rddreg [dreg:$0x5];
	[sflag:s16] =	ssyncadd.s32 $0xFFFFC000  }
0x29: {  	[hbm4b:s0+s2] =	stream.linear.scatter [tilespmem:s15], [sflag:$0x5], $0x4000, $0x38;
	[tilespmem:$0x10800] =	vst v63  }
0x2a: {  	s17 =	smov.u32 s1;
	s1 =	rddreg [dreg:$0x15]  }
0x2b: {  	[tilespmem:s10], [sflag:$0x3] =	stream.indirect.gather [hbm4b:s3+s9], $0x80, s1, s9, $0xb8;
	[tilespmem:$0x10800] =	vst v63  }
0x2c: {  	_ =	swait.ge [sflag:s14], $0x4000  }
0x2d: {  	[sflag:s14] =	ssyncset.done $0x0  }
0x2e: {  	s1 =	rddreg [dreg:$0x6];
	[sflag:s14] =	ssyncadd.s32 $0xFFFFC000  }
0x2f: {  	[hbm4b:s1+s2] =	stream.linear.scatter [tilespmem:s12], [sflag:$0x6], $0x4000, $0x38;
	[tilespmem:$0x10800] =	vst v63  }
0x30: {  	s1 =	simm.s32 $0x180  }
0x31: {  	[tilespmem:s8], [sflag:$0x4] =	stream.indirect.gather [hbm4b:s3+s9], $0x80, s1, s9, $0xb8;
	[tilespmem:$0x10800] =	vst v63  }
0x32: {  	_ =	swait.ge [sflag:s13], $0x4000  }
0x33: {  	[sflag:s13] =	ssyncset.done $0x0  }
0x34: {  	s1 =	rddreg [dreg:$0x7];
	[sflag:s13] =	ssyncadd.s32 $0xFFFFC000  }
0x35: {  	[hbm4b:s1+s2] =	stream.linear.scatter [tilespmem:s10], [sflag:$0x7], $0x4000, $0x38;
	[tilespmem:$0x10800] =	vst v63  }
0x36: {  	_ =	swait.ge [sflag:s6], $0x4000  }
0x37: {  	[sflag:s6] =	ssyncset.done $0x0  }
0x38: {  	[sflag:s6] =	ssyncadd.s32 $0xFFFFC000  }
0x39: {  	[tilespmem:s15], [sflag:$0x1] =	stream.indirect.gather [hbm4b:s3+s9], $0x80, s30, s9, $0xb8;
	[tilespmem:$0x10800] =	vst v63  }
0x3a: {  	_ =	swait.ge [sflag:s11], $0x4000  }
0x3b: {  	[sflag:s11] =	ssyncset.done $0x0  }
0x3c: {  	s1 =	rddreg [dreg:$0x8];
	[sflag:s11] =	ssyncadd.s32 $0xFFFFC000  }
0x3d: {  	[hbm4b:s1+s2] =	stream.linear.scatter [tilespmem:s8], [sflag:$0x8], $0x4000, $0x38;
	[tilespmem:$0x10800] =	vst v63  }
0x3e: {  	_ =	swait.ge [sflag:s7], $0x4000  }
0x3f: {  	[sflag:s7] =	ssyncset.done $0x0  }
0x40: {  	[sflag:s7] =	ssyncadd.s32 $0xFFFFC000  }
0x41: {  	[tilespmem:s12], [sflag:$0x2] =	stream.indirect.gather [hbm4b:s3+s9], $0x80, s29, s9, $0xb8;
	[tilespmem:$0x10800] =	vst v63  }
0x42: {  	_ =	swait.ge [sflag:s16], $0x4000  }
0x43: {  	[sflag:s16] =	ssyncset.done $0x0  }
0x44: {  	s1 =	rddreg [dreg:$0x9];
	[sflag:s16] =	ssyncadd.s32 $0xFFFFC000  }
0x45: {  	[hbm4b:s1+s2] =	stream.linear.scatter [tilespmem:s15], [sflag:$0x5], $0x4000, $0x38;
	[tilespmem:$0x10800] =	vst v63  }
0x46: {  	_ =	swait.ge [sflag:s5], $0x4000  }
0x47: {  	[sflag:s5] =	ssyncset.done $0x0  }
0x48: {  	[sflag:s5] =	ssyncadd.s32 $0xFFFFC000  }
0x49: {  	[tilespmem:s10], [sflag:$0x3] =	stream.indirect.gather [hbm4b:s3+s9], $0x80, s28, s9, $0xb8;
	[tilespmem:$0x10800] =	vst v63  }
0x4a: {  	_ =	swait.ge [sflag:s14], $0x4000  }
0x4b: {  	[sflag:s14] =	ssyncset.done $0x0  }
0x4c: {  	s1 =	rddreg [dreg:$0xa];
	[sflag:s14] =	ssyncadd.s32 $0xFFFFC000  }
0x4d: {  	[hbm4b:s1+s2] =	stream.linear.scatter [tilespmem:s12], [sflag:$0x6], $0x4000, $0x38;
	[tilespmem:$0x10800] =	vst v63  }
0x4e: {  	_ =	swait.ge [sflag:s4], $0x4000  }
0x4f: {  	[sflag:s4] =	ssyncset.done $0x0  }
0x50: {  	[sflag:s4] =	ssyncadd.s32 $0xFFFFC000  }
0x51: {  	[tilespmem:s8], [sflag:$0x4] =	stream.indirect.gather [hbm4b:s3+s9], $0x80, s26, s9, $0xb8;
	[tilespmem:$0x10800] =	vst v63  }
0x52: {  	_ =	swait.ge [sflag:s13], $0x4000  }
0x53: {  	[sflag:s13] =	ssyncset.done $0x0  }
0x54: {  	s1 =	rddreg [dreg:$0xb];
	[sflag:s13] =	ssyncadd.s32 $0xFFFFC000  }
0x55: {  	[hbm4b:s1+s2] =	stream.linear.scatter [tilespmem:s10], [sflag:$0x7], $0x4000, $0x38;
	[tilespmem:$0x10800] =	vst v63  }
0x56: {  	_ =	swait.ge [sflag:s6], $0x4000  }
0x57: {  	[sflag:s6] =	ssyncset.done $0x0  }
0x58: {  	[sflag:s6] =	ssyncadd.s32 $0xFFFFC000  }
0x59: {  	[tilespmem:s15], [sflag:$0x1] =	stream.indirect.gather [hbm4b:s3+s9], $0x80, s25, s9, $0xb8;
	[tilespmem:$0x10800] =	vst v63  }
0x5a: {  	_ =	swait.ge [sflag:s11], $0x4000  }
0x5b: {  	[sflag:s11] =	ssyncset.done $0x0  }
0x5c: {  	s1 =	rddreg [dreg:$0xc];
	[sflag:s11] =	ssyncadd.s32 $0xFFFFC000  }
0x5d: {  	[hbm4b:s1+s2] =	stream.linear.scatter [tilespmem:s8], [sflag:$0x8], $0x4000, $0x38;
	[tilespmem:$0x10800] =	vst v63  }
0x5e: {  	_ =	swait.ge [sflag:s7], $0x4000  }
0x5f: {  	[sflag:s7] =	ssyncset.done $0x0  }
0x60: {  	[sflag:s7] =	ssyncadd.s32 $0xFFFFC000  }
0x61: {  	[tilespmem:s12], [sflag:$0x2] =	stream.indirect.gather [hbm4b:s3+s9], $0x80, s24, s9, $0xb8;
	[tilespmem:$0x10800] =	vst v63  }
0x62: {  	_ =	swait.ge [sflag:s16], $0x4000  }
0x63: {  	[sflag:s16] =	ssyncset.done $0x0  }
0x64: {  	s1 =	rddreg [dreg:$0xd];
	[sflag:s16] =	ssyncadd.s32 $0xFFFFC000  }
0x65: {  	[hbm4b:s1+s2] =	stream.linear.scatter [tilespmem:s15], [sflag:$0x5], $0x4000, $0x38;
	[tilespmem:$0x10800] =	vst v63  }
0x66: {  	_ =	swait.ge [sflag:s5], $0x4000  }
0x67: {  	[sflag:s5] =	ssyncset.done $0x0  }
0x68: {  	[sflag:s5] =	ssyncadd.s32 $0xFFFFC000  }
0x69: {  	[tilespmem:s10], [sflag:$0x3] =	stream.indirect.gather [hbm4b:s3+s9], $0x80, s23, s9, $0xb8;
	[tilespmem:$0x10800] =	vst v63  }
0x6a: {  	_ =	swait.ge [sflag:s14], $0x4000  }
0x6b: {  	[sflag:s14] =	ssyncset.done $0x0  }
0x6c: {  	s1 =	rddreg [dreg:$0xe];
	[sflag:s14] =	ssyncadd.s32 $0xFFFFC000  }
0x6d: {  	[hbm4b:s1+s2] =	stream.linear.scatter [tilespmem:s12], [sflag:$0x6], $0x4000, $0x38;
	[tilespmem:$0x10800] =	vst v63  }
0x6e: {  	_ =	swait.ge [sflag:s4], $0x4000  }
0x6f: {  	[sflag:s4] =	ssyncset.done $0x0  }
0x70: {  	[sflag:s4] =	ssyncadd.s32 $0xFFFFC000  }
0x71: {  	[tilespmem:s8], [sflag:$0x4] =	stream.indirect.gather [hbm4b:s3+s9], $0x80, s22, s9, $0xb8;
	[tilespmem:$0x10800] =	vst v63  }
0x72: {  	_ =	swait.ge [sflag:s13], $0x4000  }
0x73: {  	[sflag:s13] =	ssyncset.done $0x0  }
0x74: {  	s1 =	rddreg [dreg:$0xf];
	[sflag:s13] =	ssyncadd.s32 $0xFFFFC000  }
0x75: {  	[hbm4b:s1+s2] =	stream.linear.scatter [tilespmem:s10], [sflag:$0x7], $0x4000, $0x38;
	[tilespmem:$0x10800] =	vst v63  }
0x76: {  	_ =	swait.ge [sflag:s6], $0x4000  }
0x77: {  	[sflag:s6] =	ssyncset.done $0x0  }
0x78: {  	[sflag:s6] =	ssyncadd.s32 $0xFFFFC000  }
0x79: {  	[tilespmem:s15], [sflag:$0x1] =	stream.indirect.gather [hbm4b:s3+s9], $0x80, s21, s9, $0xb8;
	[tilespmem:$0x10800] =	vst v63  }
0x7a: {  	_ =	swait.ge [sflag:s11], $0x4000  }
0x7b: {  	[sflag:s11] =	ssyncset.done $0x0  }
0x7c: {  	s1 =	rddreg [dreg:$0x10];
	[sflag:s11] =	ssyncadd.s32 $0xFFFFC000  }
0x7d: {  	[hbm4b:s1+s2] =	stream.linear.scatter [tilespmem:s8], [sflag:$0x8], $0x4000, $0x38;
	[tilespmem:$0x10800] =	vst v63  }
0x7e: {  	_ =	swait.ge [sflag:s7], $0x4000  }
0x7f: {  	[sflag:s7] =	ssyncset.done $0x0  }
0x80: {  	[sflag:s7] =	ssyncadd.s32 $0xFFFFC000  }
0x81: {  	[tilespmem:s12], [sflag:$0x2] =	stream.indirect.gather [hbm4b:s3+s9], $0x80, s20, s9, $0xb8;
	[tilespmem:$0x10800] =	vst v63  }
0x82: {  	_ =	swait.ge [sflag:s16], $0x4000  }
0x83: {  	[sflag:s16] =	ssyncset.done $0x0  }
0x84: {  	s1 =	rddreg [dreg:$0x11];
	[sflag:s16] =	ssyncadd.s32 $0xFFFFC000  }
0x85: {  	[hbm4b:s1+s2] =	stream.linear.scatter [tilespmem:s15], [sflag:$0x5], $0x4000, $0x38;
	[tilespmem:$0x10800] =	vst v63  }
0x86: {  	_ =	swait.ge [sflag:s5], $0x4000  }
0x87: {  	[sflag:s5] =	ssyncset.done $0x0  }
0x88: {  	[sflag:s5] =	ssyncadd.s32 $0xFFFFC000  }
0x89: {  	[tilespmem:s10], [sflag:$0x3] =	stream.indirect.gather [hbm4b:s3+s9], $0x80, s19, s9, $0xb8;
	[tilespmem:$0x10800] =	vst v63  }
0x8a: {  	_ =	swait.ge [sflag:s14], $0x4000  }
0x8b: {  	[sflag:s14] =	ssyncset.done $0x0  }
0x8c: {  	s1 =	rddreg [dreg:$0x12];
	[sflag:s14] =	ssyncadd.s32 $0xFFFFC000  }
0x8d: {  	[hbm4b:s1+s2] =	stream.linear.scatter [tilespmem:s12], [sflag:$0x6], $0x4000, $0x38;
	[tilespmem:$0x10800] =	vst v63  }
0x8e: {  	_ =	swait.ge [sflag:s4], $0x4000  }
0x8f: {  	[sflag:s4] =	ssyncset.done $0x0  }
0x90: {  	[sflag:s4] =	ssyncadd.s32 $0xFFFFC000  }
0x91: {  	[tilespmem:s8], [sflag:$0x4] =	stream.indirect.gather [hbm4b:s3+s9], $0x80, s18, s9, $0xb8;
	[tilespmem:$0x10800] =	vst v63  }
0x92: {  	_ =	swait.ge [sflag:s13], $0x4000  }
0x93: {  	[sflag:s13] =	ssyncset.done $0x0  }
0x94: {  	s1 =	rddreg [dreg:$0x13];
	[sflag:s13] =	ssyncadd.s32 $0xFFFFC000  }
0x95: {  	[hbm4b:s1+s2] =	stream.linear.scatter [tilespmem:s10], [sflag:$0x7], $0x4000, $0x38;
	[tilespmem:$0x10800] =	vst v63  }
0x96: {  	_ =	swait.ge [sflag:s11], $0x4000  }
0x97: {  	[sflag:s11] =	ssyncset.done $0x0  }
0x98: {  	s1 =	rddreg [dreg:$0x14];
	[sflag:s11] =	ssyncadd.s32 $0xFFFFC000  }
0x99: {  	[hbm4b:s1+s2] =	stream.linear.scatter [tilespmem:s8], [sflag:$0x8], $0x4000, $0x38;
	[tilespmem:$0x10800] =	vst v63  }
0x9a: {  	_ =	swait.ge [sflag:s6], $0x4000  }
0x9b: {  	[sflag:s6] =	ssyncset.done $0x0  }
0x9c: {  	[sflag:s6] =	ssyncadd.s32 $0xFFFFC000  }
0x9d: {  	_ =	swait.ge [sflag:s7], $0x4000  }
0x9e: {  	[sflag:s7] =	ssyncset.done $0x0  }
0x9f: {  	p1 =	sne.s32 s17, $0x1;
	[sflag:s7] =	ssyncadd.s32 $0xFFFFC000  }
.Ltmp1:
0xa0: {  	_ =	swait.ge [sflag:s5], $0x4000;
	(pc) =	sbr.rel @!p1 .LBB2_3-.Ltmp1, $4  }
0xa1: {  	[sflag:s5] =	ssyncset.done $0x0  }
0xa2: {  	[sflag:s5] =	ssyncadd.s32 $0xFFFFC000  }
0xa3: {  	p0 =	por $0x1, $0x1;
	_ =	swait.ge [sflag:s4], $0x4000  }
0xa4: {  	s1 =	sadd.s32 $0xFFFFFFFF, s17;
	s0 =	rddreg [dreg:$0x4];
	[sflag:s4] =	ssyncset.done $0x0  }
.LBB2_4:
0xa5: {  	[sflag:s4] =	ssyncadd.s32 $0xFFFFC000  }
0xa6: {  	[tilespmem:s2], [sflag:$0x9] =	stream.linear.gather [hbm4b:s0+s2], $0x800, $0x38;
	[tilespmem:$0x10800] =	vst v63  }
0xa7: {  	_ =	swait.ge [sflag:s31], $0x800  }
0xa8: {  	[sflag:s31] =	ssyncset.done $0x0  }
0xa9: {  	[sflag:s31] =	ssyncadd.s32 $0xFFFFF800  }
0xaa: {  	[tilespmem:s15], [sflag:$0x1] =	stream.indirect.gather [hbm4b:s3+s9], $0x80, s2, s9, $0xb8;
	[tilespmem:$0x10800] =	vst v63  }
0xab: {  	_ = 	snop  }
0xac: {  	[tilespmem:s12], [sflag:$0x2] =	stream.indirect.gather [hbm4b:s3+s9], $0x80, s9, s9, $0xb8;
	[tilespmem:$0x10800] =	vst v63  }
0xad: {  	_ =	swait.ge [sflag:s16], $0x4000  }
0xae: {  	[sflag:s16] =	ssyncset.done $0x0  }
0xaf: {  	s0 =	rddreg [dreg:$0x5];
	[sflag:s16] =	ssyncadd.s32 $0xFFFFC000  }
0xb0: {  	[hbm4b:s0+s2] =	stream.linear.scatter [tilespmem:s15], [sflag:$0x5], $0x4000, $0x38;
	[tilespmem:$0x10800] =	vst v63  }
0xb1: {  	s17 =	rddreg [dreg:$0x15]  }
0xb2: {  	[tilespmem:s10], [sflag:$0x3] =	stream.indirect.gather [hbm4b:s3+s9], $0x80, s17, s9, $0xb8;
	[tilespmem:$0x10800] =	vst v63  }
0xb3: {  	_ =	swait.ge [sflag:s14], $0x4000  }
0xb4: {  	[sflag:s14] =	ssyncset.done $0x0  }
0xb5: {  	s17 =	rddreg [dreg:$0x6];
	[sflag:s14] =	ssyncadd.s32 $0xFFFFC000  }
0xb6: {  	[hbm4b:s17+s2] =	stream.linear.scatter [tilespmem:s12], [sflag:$0x6], $0x4000, $0x38;
	[tilespmem:$0x10800] =	vst v63  }
0xb7: {  	s17 =	simm.s32 $0x180  }
0xb8: {  	[tilespmem:s8], [sflag:$0x4] =	stream.indirect.gather [hbm4b:s3+s9], $0x80, s17, s9, $0xb8;
	[tilespmem:$0x10800] =	vst v63  }
0xb9: {  	_ =	swait.ge [sflag:s13], $0x4000  }
0xba: {  	[sflag:s13] =	ssyncset.done $0x0  }
0xbb: {  	s17 =	rddreg [dreg:$0x7];
	[sflag:s13] =	ssyncadd.s32 $0xFFFFC000  }
0xbc: {  	[hbm4b:s17+s2] =	stream.linear.scatter [tilespmem:s10], [sflag:$0x7], $0x4000, $0x38;
	[tilespmem:$0x10800] =	vst v63  }
0xbd: {  	_ =	swait.ge [sflag:s6], $0x4000  }
0xbe: {  	[sflag:s6] =	ssyncset.done $0x0  }
0xbf: {  	[sflag:s6] =	ssyncadd.s32 $0xFFFFC000  }
0xc0: {  	[tilespmem:s15], [sflag:$0x1] =	stream.indirect.gather [hbm4b:s3+s9], $0x80, s30, s9, $0xb8;
	[tilespmem:$0x10800] =	vst v63  }
0xc1: {  	_ =	swait.ge [sflag:s11], $0x4000  }
0xc2: {  	[sflag:s11] =	ssyncset.done $0x0  }
0xc3: {  	s17 =	rddreg [dreg:$0x8];
	[sflag:s11] =	ssyncadd.s32 $0xFFFFC000  }
0xc4: {  	[hbm4b:s17+s2] =	stream.linear.scatter [tilespmem:s8], [sflag:$0x8], $0x4000, $0x38;
	[tilespmem:$0x10800] =	vst v63  }
0xc5: {  	_ =	swait.ge [sflag:s7], $0x4000  }
0xc6: {  	[sflag:s7] =	ssyncset.done $0x0  }
0xc7: {  	[sflag:s7] =	ssyncadd.s32 $0xFFFFC000  }
0xc8: {  	[tilespmem:s12], [sflag:$0x2] =	stream.indirect.gather [hbm4b:s3+s9], $0x80, s29, s9, $0xb8;
	[tilespmem:$0x10800] =	vst v63  }
0xc9: {  	_ =	swait.ge [sflag:s16], $0x4000  }
0xca: {  	[sflag:s16] =	ssyncset.done $0x0  }
0xcb: {  	s17 =	rddreg [dreg:$0x9];
	[sflag:s16] =	ssyncadd.s32 $0xFFFFC000  }
0xcc: {  	[hbm4b:s17+s2] =	stream.linear.scatter [tilespmem:s15], [sflag:$0x5], $0x4000, $0x38;
	[tilespmem:$0x10800] =	vst v63  }
0xcd: {  	_ =	swait.ge [sflag:s5], $0x4000  }
0xce: {  	[sflag:s5] =	ssyncset.done $0x0  }
0xcf: {  	[sflag:s5] =	ssyncadd.s32 $0xFFFFC000  }
0xd0: {  	[tilespmem:s10], [sflag:$0x3] =	stream.indirect.gather [hbm4b:s3+s9], $0x80, s28, s9, $0xb8;
	[tilespmem:$0x10800] =	vst v63  }
0xd1: {  	_ =	swait.ge [sflag:s14], $0x4000  }
0xd2: {  	[sflag:s14] =	ssyncset.done $0x0  }
0xd3: {  	s17 =	rddreg [dreg:$0xa];
	[sflag:s14] =	ssyncadd.s32 $0xFFFFC000  }
0xd4: {  	[hbm4b:s17+s2] =	stream.linear.scatter [tilespmem:s12], [sflag:$0x6], $0x4000, $0x38;
	[tilespmem:$0x10800] =	vst v63  }
0xd5: {  	_ =	swait.ge [sflag:s4], $0x4000  }
0xd6: {  	[sflag:s4] =	ssyncset.done $0x0  }
0xd7: {  	[sflag:s4] =	ssyncadd.s32 $0xFFFFC000  }
0xd8: {  	[tilespmem:s8], [sflag:$0x4] =	stream.indirect.gather [hbm4b:s3+s9], $0x80, s26, s9, $0xb8;
	[tilespmem:$0x10800] =	vst v63  }
0xd9: {  	_ =	swait.ge [sflag:s13], $0x4000  }
0xda: {  	[sflag:s13] =	ssyncset.done $0x0  }
0xdb: {  	s17 =	rddreg [dreg:$0xb];
	[sflag:s13] =	ssyncadd.s32 $0xFFFFC000  }
0xdc: {  	[hbm4b:s17+s2] =	stream.linear.scatter [tilespmem:s10], [sflag:$0x7], $0x4000, $0x38;
	[tilespmem:$0x10800] =	vst v63  }
0xdd: {  	_ =	swait.ge [sflag:s6], $0x4000  }
0xde: {  	[sflag:s6] =	ssyncset.done $0x0  }
0xdf: {  	[sflag:s6] =	ssyncadd.s32 $0xFFFFC000  }
0xe0: {  	[tilespmem:s15], [sflag:$0x1] =	stream.indirect.gather [hbm4b:s3+s9], $0x80, s25, s9, $0xb8;
	[tilespmem:$0x10800] =	vst v63  }
0xe1: {  	_ =	swait.ge [sflag:s11], $0x4000  }
0xe2: {  	[sflag:s11] =	ssyncset.done $0x0  }
0xe3: {  	s17 =	rddreg [dreg:$0xc];
	[sflag:s11] =	ssyncadd.s32 $0xFFFFC000  }
0xe4: {  	[hbm4b:s17+s2] =	stream.linear.scatter [tilespmem:s8], [sflag:$0x8], $0x4000, $0x38;
	[tilespmem:$0x10800] =	vst v63  }
0xe5: {  	_ =	swait.ge [sflag:s7], $0x4000  }
0xe6: {  	[sflag:s7] =	ssyncset.done $0x0  }
0xe7: {  	[sflag:s7] =	ssyncadd.s32 $0xFFFFC000  }
0xe8: {  	[tilespmem:s12], [sflag:$0x2] =	stream.indirect.gather [hbm4b:s3+s9], $0x80, s24, s9, $0xb8;
	[tilespmem:$0x10800] =	vst v63  }
0xe9: {  	_ =	swait.ge [sflag:s16], $0x4000  }
0xea: {  	[sflag:s16] =	ssyncset.done $0x0  }
0xeb: {  	s17 =	rddreg [dreg:$0xd];
	[sflag:s16] =	ssyncadd.s32 $0xFFFFC000  }
0xec: {  	[hbm4b:s17+s2] =	stream.linear.scatter [tilespmem:s15], [sflag:$0x5], $0x4000, $0x38;
	[tilespmem:$0x10800] =	vst v63  }
0xed: {  	_ =	swait.ge [sflag:s5], $0x4000  }
0xee: {  	[sflag:s5] =	ssyncset.done $0x0  }
0xef: {  	[sflag:s5] =	ssyncadd.s32 $0xFFFFC000  }
0xf0: {  	[tilespmem:s10], [sflag:$0x3] =	stream.indirect.gather [hbm4b:s3+s9], $0x80, s23, s9, $0xb8;
	[tilespmem:$0x10800] =	vst v63  }
0xf1: {  	_ =	swait.ge [sflag:s14], $0x4000  }
0xf2: {  	[sflag:s14] =	ssyncset.done $0x0  }
0xf3: {  	s17 =	rddreg [dreg:$0xe];
	[sflag:s14] =	ssyncadd.s32 $0xFFFFC000  }
0xf4: {  	[hbm4b:s17+s2] =	stream.linear.scatter [tilespmem:s12], [sflag:$0x6], $0x4000, $0x38;
	[tilespmem:$0x10800] =	vst v63  }
0xf5: {  	_ =	swait.ge [sflag:s4], $0x4000  }
0xf6: {  	[sflag:s4] =	ssyncset.done $0x0  }
0xf7: {  	[sflag:s4] =	ssyncadd.s32 $0xFFFFC000  }
0xf8: {  	[tilespmem:s8], [sflag:$0x4] =	stream.indirect.gather [hbm4b:s3+s9], $0x80, s22, s9, $0xb8;
	[tilespmem:$0x10800] =	vst v63  }
0xf9: {  	_ =	swait.ge [sflag:s13], $0x4000  }
0xfa: {  	[sflag:s13] =	ssyncset.done $0x0  }
0xfb: {  	s17 =	rddreg [dreg:$0xf];
	[sflag:s13] =	ssyncadd.s32 $0xFFFFC000  }
0xfc: {  	[hbm4b:s17+s2] =	stream.linear.scatter [tilespmem:s10], [sflag:$0x7], $0x4000, $0x38;
	[tilespmem:$0x10800] =	vst v63  }
0xfd: {  	_ =	swait.ge [sflag:s6], $0x4000  }
0xfe: {  	[sflag:s6] =	ssyncset.done $0x0  }
0xff: {  	[sflag:s6] =	ssyncadd.s32 $0xFFFFC000  }
0x100: {  	[tilespmem:s15], [sflag:$0x1] =	stream.indirect.gather [hbm4b:s3+s9], $0x80, s21, s9, $0xb8;
	[tilespmem:$0x10800] =	vst v63  }
0x101: {  	_ =	swait.ge [sflag:s11], $0x4000  }
0x102: {  	[sflag:s11] =	ssyncset.done $0x0  }
0x103: {  	s17 =	rddreg [dreg:$0x10];
	[sflag:s11] =	ssyncadd.s32 $0xFFFFC000  }
0x104: {  	[hbm4b:s17+s2] =	stream.linear.scatter [tilespmem:s8], [sflag:$0x8], $0x4000, $0x38;
	[tilespmem:$0x10800] =	vst v63  }
0x105: {  	_ =	swait.ge [sflag:s7], $0x4000  }
0x106: {  	[sflag:s7] =	ssyncset.done $0x0  }
0x107: {  	[sflag:s7] =	ssyncadd.s32 $0xFFFFC000  }
0x108: {  	[tilespmem:s12], [sflag:$0x2] =	stream.indirect.gather [hbm4b:s3+s9], $0x80, s20, s9, $0xb8;
	[tilespmem:$0x10800] =	vst v63  }
0x109: {  	_ =	swait.ge [sflag:s16], $0x4000  }
0x10a: {  	[sflag:s16] =	ssyncset.done $0x0  }
0x10b: {  	s17 =	rddreg [dreg:$0x11];
	[sflag:s16] =	ssyncadd.s32 $0xFFFFC000  }
0x10c: {  	[hbm4b:s17+s2] =	stream.linear.scatter [tilespmem:s15], [sflag:$0x5], $0x4000, $0x38;
	[tilespmem:$0x10800] =	vst v63  }
0x10d: {  	_ =	swait.ge [sflag:s5], $0x4000  }
0x10e: {  	[sflag:s5] =	ssyncset.done $0x0  }
0x10f: {  	[sflag:s5] =	ssyncadd.s32 $0xFFFFC000  }
0x110: {  	[tilespmem:s10], [sflag:$0x3] =	stream.indirect.gather [hbm4b:s3+s9], $0x80, s19, s9, $0xb8;
	[tilespmem:$0x10800] =	vst v63  }
0x111: {  	_ =	swait.ge [sflag:s14], $0x4000  }
0x112: {  	[sflag:s14] =	ssyncset.done $0x0  }
0x113: {  	s17 =	rddreg [dreg:$0x12];
	[sflag:s14] =	ssyncadd.s32 $0xFFFFC000  }
0x114: {  	[hbm4b:s17+s2] =	stream.linear.scatter [tilespmem:s12], [sflag:$0x6], $0x4000, $0x38;
	[tilespmem:$0x10800] =	vst v63  }
0x115: {  	_ =	swait.ge [sflag:s4], $0x4000  }
0x116: {  	[sflag:s4] =	ssyncset.done $0x0  }
0x117: {  	[sflag:s4] =	ssyncadd.s32 $0xFFFFC000  }
0x118: {  	[tilespmem:s8], [sflag:$0x4] =	stream.indirect.gather [hbm4b:s3+s9], $0x80, s18, s9, $0xb8;
	[tilespmem:$0x10800] =	vst v63  }
0x119: {  	_ =	swait.ge [sflag:s13], $0x4000  }
0x11a: {  	[sflag:s13] =	ssyncset.done $0x0  }
0x11b: {  	s17 =	rddreg [dreg:$0x13];
	[sflag:s13] =	ssyncadd.s32 $0xFFFFC000  }
0x11c: {  	[hbm4b:s17+s2] =	stream.linear.scatter [tilespmem:s10], [sflag:$0x7], $0x4000, $0x38;
	[tilespmem:$0x10800] =	vst v63  }
0x11d: {  	_ =	swait.ge [sflag:s11], $0x4000  }
0x11e: {  	[sflag:s11] =	ssyncset.done $0x0  }
0x11f: {  	s17 =	rddreg [dreg:$0x14];
	[sflag:s11] =	ssyncadd.s32 $0xFFFFC000  }
0x120: {  	[hbm4b:s17+s2] =	stream.linear.scatter [tilespmem:s8], [sflag:$0x8], $0x4000, $0x38;
	[tilespmem:$0x10800] =	vst v63  }
0x121: {  	_ =	swait.ge [sflag:s6], $0x4000  }
0x122: {  	[sflag:s6] =	ssyncset.done $0x0  }
0x123: {  	[sflag:s6] =	ssyncadd.s32 $0xFFFFC000  }
0x124: {  	_ =	swait.ge [sflag:s7], $0x4000  }
0x125: {  	[sflag:s7] =	ssyncset.done $0x0  }
0x126: {  	p1 =	sne.s32 s1, $0x1;
	[sflag:s7] =	ssyncadd.s32 $0xFFFFC000  }
.Ltmp2:
0x127: {  	_ =	swait.ge [sflag:s5], $0x4000;
	(pc) =	sbr.rel @p1 .LBB2_4-.Ltmp2, $4  }
0x128: {  	[sflag:s5] =	ssyncset.done $0x0  }
0x129: {  	[sflag:s5] =	ssyncadd.s32 $0xFFFFC000  }
0x12a: {  	_ =	swait.ge [sflag:s4], $0x4000  }
0x12b: {  	s1 =	sadd.s32 $0xFFFFFFFF, s1;
	s0 =	rddreg [dreg:$0x4];
	[sflag:s4] =	ssyncset.done $0x0  }
0x12c: {  	s18 =	simm.s32 $0x180  }
0x12d: {  	s30 =	simm.s32 $0x200;
	s29 =	simm.s32 $0x280;
	s28 =	simm.s32 $0x300  }
0x12e: {  	s26 =	simm.s32 $0x380;
	s25 =	simm.s32 $0x400;
	s24 =	simm.s32 $0x480  }
0x12f: {  	s23 =	simm.s32 $0x500;
	s22 =	simm.s32 $0x580;
	s21 =	simm.s32 $0x600  }
0x130: {  	s20 =	simm.s32 $0x680;
	s19 =	simm.s32 $0x700;
	s17 =	stileid.u32  }
.LBB2_6:
0x131: {  	[sflag:s4] =	ssyncadd.s32 @p0 $0xFFFFC000  }
0x132: {  	[tilespmem:s2], [sflag:$0x9] =	stream.linear.gather [hbm4b:s0+s2], $0x800, $0x38;
	[tilespmem:$0x10800] =	vst v63  }
0x133: {  	_ =	swait.ge [sflag:s31], $0x800  }
0x134: {  	[sflag:s31] =	ssyncset.done $0x0  }
0x135: {  	[sflag:s31] =	ssyncadd.s32 $0xFFFFF800  }
0x136: {  	[tilespmem:s15], [sflag:$0x1] =	stream.indirect.gather [hbm4b:s3+s9], $0x80, s2, s9, $0xb8;
	[tilespmem:$0x10800] =	vst v63  }
0x137: {  	_ = 	snop  }
0x138: {  	[tilespmem:s12], [sflag:$0x2] =	stream.indirect.gather [hbm4b:s3+s9], $0x80, s9, s9, $0xb8;
	[tilespmem:$0x10800] =	vst v63  }
0x139: {  	_ =	swait.ge [sflag:s16], $0x4000  }
0x13a: {  	[sflag:s16] =	ssyncset.done $0x0  }
0x13b: {  	s31 =	rddreg [dreg:$0x5];
	[sflag:s16] =	ssyncadd.s32 $0xFFFFC000  }
0x13c: {  	[hbm4b:s31+s2] =	stream.linear.scatter [tilespmem:s15], [sflag:$0x5], $0x4000, $0x38;
	[tilespmem:$0x10800] =	vst v63  }
0x13d: {  	s1 =	rddreg [dreg:$0x15]  }
0x13e: {  	[tilespmem:s10], [sflag:$0x3] =	stream.indirect.gather [hbm4b:s3+s9], $0x80, s1, s9, $0xb8;
	[tilespmem:$0x10800] =	vst v63  }
0x13f: {  	_ =	swait.ge [sflag:s14], $0x4000  }
0x140: {  	[sflag:s14] =	ssyncset.done $0x0  }
0x141: {  	s31 =	rddreg [dreg:$0x6];
	[sflag:s14] =	ssyncadd.s32 $0xFFFFC000  }
0x142: {  	[hbm4b:s31+s2] =	stream.linear.scatter [tilespmem:s12], [sflag:$0x6], $0x4000, $0x38;
	[tilespmem:$0x10800] =	vst v63  }
0x143: {  	_ = 	snop  }
0x144: {  	[tilespmem:s8], [sflag:$0x4] =	stream.indirect.gather [hbm4b:s3+s9], $0x80, s18, s9, $0xb8;
	[tilespmem:$0x10800] =	vst v63  }
0x145: {  	_ =	swait.ge [sflag:s13], $0x4000  }
0x146: {  	[sflag:s13] =	ssyncset.done $0x0  }
0x147: {  	s1 =	rddreg [dreg:$0x7];
	[sflag:s13] =	ssyncadd.s32 $0xFFFFC000  }
0x148: {  	[hbm4b:s1+s2] =	stream.linear.scatter [tilespmem:s10], [sflag:$0x7], $0x4000, $0x38;
	[tilespmem:$0x10800] =	vst v63  }
0x149: {  	_ =	swait.ge [sflag:s6], $0x4000  }
0x14a: {  	[sflag:s6] =	ssyncset.done $0x0  }
0x14b: {  	[sflag:s6] =	ssyncadd.s32 $0xFFFFC000  }
0x14c: {  	[tilespmem:s15], [sflag:$0x1] =	stream.indirect.gather [hbm4b:s3+s9], $0x80, s30, s9, $0xb8;
	[tilespmem:$0x10800] =	vst v63  }
0x14d: {  	_ =	swait.ge [sflag:s11], $0x4000  }
0x14e: {  	[sflag:s11] =	ssyncset.done $0x0  }
0x14f: {  	s18 =	rddreg [dreg:$0x8];
	[sflag:s11] =	ssyncadd.s32 $0xFFFFC000  }
0x150: {  	[hbm4b:s18+s2] =	stream.linear.scatter [tilespmem:s8], [sflag:$0x8], $0x4000, $0x38;
	[tilespmem:$0x10800] =	vst v63  }
0x151: {  	_ =	swait.ge [sflag:s7], $0x4000  }
0x152: {  	[sflag:s7] =	ssyncset.done $0x0  }
0x153: {  	[sflag:s7] =	ssyncadd.s32 $0xFFFFC000  }
0x154: {  	[tilespmem:s12], [sflag:$0x2] =	stream.indirect.gather [hbm4b:s3+s9], $0x80, s29, s9, $0xb8;
	[tilespmem:$0x10800] =	vst v63  }
0x155: {  	_ =	swait.ge [sflag:s16], $0x4000  }
0x156: {  	[sflag:s16] =	ssyncset.done $0x0  }
0x157: {  	s29 =	rddreg [dreg:$0x9];
	[sflag:s16] =	ssyncadd.s32 $0xFFFFC000  }
0x158: {  	[hbm4b:s29+s2] =	stream.linear.scatter [tilespmem:s15], [sflag:$0x5], $0x4000, $0x38;
	[tilespmem:$0x10800] =	vst v63  }
0x159: {  	_ =	swait.ge [sflag:s5], $0x4000  }
0x15a: {  	[sflag:s5] =	ssyncset.done $0x0  }
0x15b: {  	[sflag:s5] =	ssyncadd.s32 $0xFFFFC000  }
0x15c: {  	[tilespmem:s10], [sflag:$0x3] =	stream.indirect.gather [hbm4b:s3+s9], $0x80, s28, s9, $0xb8;
	[tilespmem:$0x10800] =	vst v63  }
0x15d: {  	_ =	swait.ge [sflag:s14], $0x4000  }
0x15e: {  	[sflag:s14] =	ssyncset.done $0x0  }
0x15f: {  	s30 =	rddreg [dreg:$0xa];
	[sflag:s14] =	ssyncadd.s32 $0xFFFFC000  }
0x160: {  	[hbm4b:s30+s2] =	stream.linear.scatter [tilespmem:s12], [sflag:$0x6], $0x4000, $0x38;
	[tilespmem:$0x10800] =	vst v63  }
0x161: {  	_ =	swait.ge [sflag:s4], $0x4000  }
0x162: {  	[sflag:s4] =	ssyncset.done $0x0  }
0x163: {  	[sflag:s4] =	ssyncadd.s32 $0xFFFFC000  }
0x164: {  	[tilespmem:s8], [sflag:$0x4] =	stream.indirect.gather [hbm4b:s3+s9], $0x80, s26, s9, $0xb8;
	[tilespmem:$0x10800] =	vst v63  }
0x165: {  	_ =	swait.ge [sflag:s13], $0x4000  }
0x166: {  	[sflag:s13] =	ssyncset.done $0x0  }
0x167: {  	s31 =	rddreg [dreg:$0xb];
	[sflag:s13] =	ssyncadd.s32 $0xFFFFC000  }
0x168: {  	[hbm4b:s31+s2] =	stream.linear.scatter [tilespmem:s10], [sflag:$0x7], $0x4000, $0x38;
	[tilespmem:$0x10800] =	vst v63  }
0x169: {  	_ =	swait.ge [sflag:s6], $0x4000  }
0x16a: {  	[sflag:s6] =	ssyncset.done $0x0  }
0x16b: {  	[sflag:s6] =	ssyncadd.s32 $0xFFFFC000  }
0x16c: {  	[tilespmem:s15], [sflag:$0x1] =	stream.indirect.gather [hbm4b:s3+s9], $0x80, s25, s9, $0xb8;
	[tilespmem:$0x10800] =	vst v63  }
0x16d: {  	_ =	swait.ge [sflag:s11], $0x4000  }
0x16e: {  	[sflag:s11] =	ssyncset.done $0x0  }
0x16f: {  	s1 =	rddreg [dreg:$0xc];
	[sflag:s11] =	ssyncadd.s32 $0xFFFFC000  }
0x170: {  	[hbm4b:s1+s2] =	stream.linear.scatter [tilespmem:s8], [sflag:$0x8], $0x4000, $0x38;
	[tilespmem:$0x10800] =	vst v63  }
0x171: {  	_ =	swait.ge [sflag:s7], $0x4000  }
0x172: {  	[sflag:s7] =	ssyncset.done $0x0  }
0x173: {  	[sflag:s7] =	ssyncadd.s32 $0xFFFFC000  }
0x174: {  	[tilespmem:s12], [sflag:$0x2] =	stream.indirect.gather [hbm4b:s3+s9], $0x80, s24, s9, $0xb8;
	[tilespmem:$0x10800] =	vst v63  }
0x175: {  	_ =	swait.ge [sflag:s16], $0x4000  }
0x176: {  	[sflag:s16] =	ssyncset.done $0x0  }
0x177: {  	s18 =	rddreg [dreg:$0xd];
	[sflag:s16] =	ssyncadd.s32 $0xFFFFC000  }
0x178: {  	[hbm4b:s18+s2] =	stream.linear.scatter [tilespmem:s15], [sflag:$0x5], $0x4000, $0x38;
	[tilespmem:$0x10800] =	vst v63  }
0x179: {  	_ =	swait.ge [sflag:s5], $0x4000  }
0x17a: {  	[sflag:s5] =	ssyncset.done $0x0  }
0x17b: {  	[sflag:s5] =	ssyncadd.s32 $0xFFFFC000  }
0x17c: {  	[tilespmem:s10], [sflag:$0x3] =	stream.indirect.gather [hbm4b:s3+s9], $0x80, s23, s9, $0xb8;
	[tilespmem:$0x10800] =	vst v63  }
0x17d: {  	_ =	swait.ge [sflag:s14], $0x4000  }
0x17e: {  	[sflag:s14] =	ssyncset.done $0x0  }
0x17f: {  	s23 =	rddreg [dreg:$0xe];
	[sflag:s14] =	ssyncadd.s32 $0xFFFFC000  }
0x180: {  	[hbm4b:s23+s2] =	stream.linear.scatter [tilespmem:s12], [sflag:$0x6], $0x4000, $0x38;
	[tilespmem:$0x10800] =	vst v63  }
0x181: {  	_ =	swait.ge [sflag:s4], $0x4000  }
0x182: {  	[sflag:s4] =	ssyncset.done $0x0  }
0x183: {  	[sflag:s4] =	ssyncadd.s32 $0xFFFFC000  }
0x184: {  	[tilespmem:s8], [sflag:$0x4] =	stream.indirect.gather [hbm4b:s3+s9], $0x80, s22, s9, $0xb8;
	[tilespmem:$0x10800] =	vst v63  }
0x185: {  	_ =	swait.ge [sflag:s13], $0x4000  }
0x186: {  	[sflag:s13] =	ssyncset.done $0x0  }
0x187: {  	s24 =	rddreg [dreg:$0xf];
	[sflag:s13] =	ssyncadd.s32 $0xFFFFC000  }
0x188: {  	[hbm4b:s24+s2] =	stream.linear.scatter [tilespmem:s10], [sflag:$0x7], $0x4000, $0x38;
	[tilespmem:$0x10800] =	vst v63  }
0x189: {  	_ =	swait.ge [sflag:s6], $0x4000  }
0x18a: {  	[sflag:s6] =	ssyncset.done $0x0  }
0x18b: {  	[sflag:s6] =	ssyncadd.s32 $0xFFFFC000  }
0x18c: {  	[tilespmem:s15], [sflag:$0x1] =	stream.indirect.gather [hbm4b:s3+s9], $0x80, s21, s9, $0xb8;
	[tilespmem:$0x10800] =	vst v63  }
0x18d: {  	_ =	swait.ge [sflag:s11], $0x4000  }
0x18e: {  	[sflag:s11] =	ssyncset.done $0x0  }
0x18f: {  	s25 =	rddreg [dreg:$0x10];
	[sflag:s11] =	ssyncadd.s32 $0xFFFFC000  }
0x190: {  	[hbm4b:s25+s2] =	stream.linear.scatter [tilespmem:s8], [sflag:$0x8], $0x4000, $0x38;
	[tilespmem:$0x10800] =	vst v63  }
0x191: {  	_ =	swait.ge [sflag:s7], $0x4000  }
0x192: {  	[sflag:s7] =	ssyncset.done $0x0  }
0x193: {  	[sflag:s7] =	ssyncadd.s32 $0xFFFFC000  }
0x194: {  	[tilespmem:s12], [sflag:$0x2] =	stream.indirect.gather [hbm4b:s3+s9], $0x80, s20, s9, $0xb8;
	[tilespmem:$0x10800] =	vst v63  }
0x195: {  	_ =	swait.ge [sflag:s16], $0x4000  }
0x196: {  	[sflag:s16] =	ssyncset.done $0x0  }
0x197: {  	s26 =	rddreg [dreg:$0x11];
	[sflag:s16] =	ssyncadd.s32 $0xFFFFC000  }
0x198: {  	[hbm4b:s26+s2] =	stream.linear.scatter [tilespmem:s15], [sflag:$0x5], $0x4000, $0x38;
	[tilespmem:$0x10800] =	vst v63  }
0x199: {  	_ =	swait.ge [sflag:s5], $0x4000  }
0x19a: {  	[sflag:s5] =	ssyncset.done $0x0  }
0x19b: {  	[sflag:s5] =	ssyncadd.s32 $0xFFFFC000  }
0x19c: {  	[tilespmem:s10], [sflag:$0x3] =	stream.indirect.gather [hbm4b:s3+s9], $0x80, s19, s9, $0xb8;
	[tilespmem:$0x10800] =	vst v63  }
0x19d: {  	_ =	swait.ge [sflag:s14], $0x4000  }
0x19e: {  	[sflag:s14] =	ssyncset.done $0x0  }
0x19f: {  	s28 =	rddreg [dreg:$0x12];
	[sflag:s14] =	ssyncadd.s32 $0xFFFFC000  }
0x1a0: {  	[hbm4b:s28+s2] =	stream.linear.scatter [tilespmem:s12], [sflag:$0x6], $0x4000, $0x38;
	[tilespmem:$0x10800] =	vst v63  }
0x1a1: {  	_ =	swait.ge [sflag:s4], $0x4000  }
0x1a2: {  	[sflag:s4] =	ssyncset.done $0x0  }
0x1a3: {  	s29 =	simm.s32 $0x780;
	[sflag:s4] =	ssyncadd.s32 $0xFFFFC000  }
0x1a4: {  	[tilespmem:s8], [sflag:$0x4] =	stream.indirect.gather [hbm4b:s3+s9], $0x80, s29, s9, $0xb8;
	[tilespmem:$0x10800] =	vst v63  }
0x1a5: {  	_ =	swait.ge [sflag:s13], $0x4000  }
0x1a6: {  	[sflag:s13] =	ssyncset.done $0x0  }
0x1a7: {  	s30 =	rddreg [dreg:$0x13];
	[sflag:s13] =	ssyncadd.s32 $0xFFFFC000  }
0x1a8: {  	[hbm4b:s30+s2] =	stream.linear.scatter [tilespmem:s10], [sflag:$0x7], $0x4000, $0x38;
	[tilespmem:$0x10800] =	vst v63  }
0x1a9: {  	_ =	swait.ge [sflag:s11], $0x4000  }
0x1aa: {  	[sflag:s11] =	ssyncset.done $0x0  }
0x1ab: {  	s31 =	rddreg [dreg:$0x14];
	[sflag:s11] =	ssyncadd.s32 $0xFFFFC000  }
0x1ac: {  	[hbm4b:s31+s2] =	stream.linear.scatter [tilespmem:s8], [sflag:$0x8], $0x4000, $0x38;
	[tilespmem:$0x10800] =	vst v63  }
0x1ad: {  	_ =	swait.ge [sflag:s6], $0x4000  }
0x1ae: {  	[sflag:s6] =	ssyncset.done $0x0  }
0x1af: {  	[sflag:s6] =	ssyncadd.s32 $0xFFFFC000  }
0x1b0: {  	_ =	swait.ge [sflag:s7], $0x4000  }
0x1b1: {  	[sflag:s7] =	ssyncset.done $0x0  }
0x1b2: {  	[sflag:s7] =	ssyncadd.s32 $0xFFFFC000  }
0x1b3: {  	_ =	swait.ge [sflag:s5], $0x4000  }
0x1b4: {  	[sflag:s5] =	ssyncset.done $0x0  }
0x1b5: {  	[sflag:s5] =	ssyncadd.s32 $0xFFFFC000  }
0x1b6: {  	_ =	swait.ge [sflag:s4], $0x4000  }
0x1b7: {  	[sflag:s4] =	ssyncset.done $0x0  }
0x1b8: {  	[sflag:s4] =	ssyncadd.s32 $0xFFFFC000  }
0x1b9: {  	_ =	sfence.sel $0x180000  }
0x1ba: {  	[bflag:$0x0] =	sbarrier.arrive $0xFFFF  }
0x1bb: {  	_ =	strace $0x90000047  }
0x1bc: {  	[bflag:$0x2] =	sbarrier.arrive $0xFFFF  }
0x1bd: {  	p0 =	sne.s32 s17, $0x0;
	s0 =	rddreg [dreg:$0x3]  }
0x1be: {  	s0 =	sadd.s32 @!p0 $0x100000, s0  }
0x1bf: {  	[sflag:s0] =	ssyncadd.tile.s32 @!p0 $0x1;
	_ =	shalt  }
.LBB2_1:
.Ltmp3:
0x1c0: {  	(pc) =	sbr.rel .LBB2_6-.Ltmp3, $4  }
0x1c1: {  	s18 =	simm.s32 $0x180;
	s30 =	simm.s32 $0x200;
	s29 =	simm.s32 $0x280  }
0x1c2: {  	s28 =	simm.s32 $0x300;
	s26 =	simm.s32 $0x380;
	s25 =	simm.s32 $0x400  }
0x1c3: {  	s24 =	simm.s32 $0x480;
	s23 =	simm.s32 $0x500;
	s22 =	simm.s32 $0x580  }
0x1c4: {  	s21 =	simm.s32 $0x600;
	s20 =	simm.s32 $0x680;
	s19 =	simm.s32 $0x700  }
.LBB2_3:
.Ltmp4:
0x1c5: {  	s18 =	simm.s32 $0x180;
	(pc) =	sbr.rel .LBB2_6-.Ltmp4, $4  }
0x1c6: {  	s30 =	simm.s32 $0x200;
	s29 =	simm.s32 $0x280;
	s28 =	simm.s32 $0x300  }
0x1c7: {  	s26 =	simm.s32 $0x380;
	s25 =	simm.s32 $0x400;
	s24 =	simm.s32 $0x480  }
0x1c8: {  	s23 =	simm.s32 $0x500;
	s22 =	simm.s32 $0x580;
	s21 =	simm.s32 $0x600  }
0x1c9: {  	s20 =	simm.s32 $0x680;
	s19 =	simm.s32 $0x700;
	s17 =	stileid.u32  }
.Lfunc_end2:
_tile_overlayer_lowered:
.L_overlay_start_2:
0x1ca: {  	(tag) =	ssettag $0x2  }
0x1cb: {  	s0 =	rddreg [dreg:$0x0];
	s2 =	stileid.u32  }
0x1cc: {  	s1 =	rddreg [dreg:$0x1];
	p0 =	sne.s32 s2, $0x0  }
0x1cd: {  	s3 =	rddreg [dreg:$0x2];
	[bflag:$0x3] =	sbarrier.arrive $0xFFFF;
	s2 =	simm.s32 @!p0 $0x1C09  }
0x1ce: {  	[timem:s3], [sflag:s2] =	dma.local @!p0 [hbm:s0], s1  }
0x1cf: {  	s0 =	simm.s32 @!p0 $0x9  }
0x1d0: {  	_ =	swait.ge @!p0 [sflag:s0], s1  }
0x1d1: {  	s1 =	ssub.s32 @!p0 $0x0, s1;
	[sflag:s0] =	ssyncset.done @!p0 $0x0  }
0x1d2: {  	[sflag:s0] =	ssyncadd.s32 @!p0 s1  }
0x1d3: {  	[bflag:$0x3] =	sbarrier.arrive $0xFFFF  }
0x1d4: {  	_ =	shalt  }

</sc_bundles>
